<compile_context>
chip_gen: v7x
topology: tpu7x:2x2x1
jax: 0.10.2.dev20260603
libtpu: 0.0.44.dev20260713+nightly
codegen_flags: <defaults>
</compile_context>

<pallas_src>
import functools

import jax
import jax.numpy as jnp
from jax import lax
from jax.experimental import pallas as pl
from jax.experimental.pallas import tpu as pltpu
from jax.experimental.pallas import tpu_sc as plsc

LANES = 16
NC = 2
NS = 16



def _qk_body(x_ref, w2_ref, bq_ref, bk_ref, q_ref, k_ref):
    xb = x_ref[...]
    dn = (((0,), (1,)), ((), ()))
    qkt = lax.dot_general(w2_ref[...], xb, dn,
                          preferred_element_type=jnp.float32)
    q_ref[...] = qkt[0] + bq_ref[0]
    k_ref[...] = qkt[1] + bk_ref[0]


def _compute_qk(x, W2, bq, bk):
    n, d = x.shape
    blk = 2048
    grid = (n + blk - 1) // blk
    return pl.pallas_call(
        _qk_body,
        grid=(grid,),
        in_specs=[
            pl.BlockSpec((blk, d), lambda i: (i, 0)),
            pl.BlockSpec((d, 2), lambda i: (0, 0)),
            pl.BlockSpec((1,), lambda i: (0,)),
            pl.BlockSpec((1,), lambda i: (0,)),
        ],
        out_specs=[
            pl.BlockSpec((blk,), lambda i: (i,)),
            pl.BlockSpec((blk,), lambda i: (i,)),
        ],
        out_shape=[
            jax.ShapeDtypeStruct((grid * blk,), jnp.float32),
            jax.ShapeDtypeStruct((grid * blk,), jnp.float32),
        ],
    )(x, W2, bq, bk)



def _make_sc_edge(n, e):
    epw = e // (NC * NS)
    ew = (epw // 128 + 2) * 128
    stripe = 640
    n_pad = stripe * NS
    real_last = n - stripe * (NS - 1)

    mesh = plsc.VectorSubcoreMesh(core_axis_name="c", subcore_axis_name="s")

    @functools.partial(
        pl.kernel,
        out_type=(
            jax.ShapeDtypeStruct((n_pad,), jnp.float32),
            jax.ShapeDtypeStruct((n_pad,), jnp.float32),
            jax.ShapeDtypeStruct((NC * 2 * LANES,), jnp.float32),
        ),
        mesh=mesh,
        compiler_params=pltpu.CompilerParams(needs_layout_passes=False),
        scratch_types=[
            pltpu.VMEM((n_pad,), jnp.float32),
            pltpu.VMEM((n_pad,), jnp.float32),
            pltpu.VMEM((2, ew), jnp.int32),
            pltpu.VMEM((epw,), jnp.float32),
            pltpu.VMEM((n_pad,), jnp.float32),
            pltpu.VMEM((LANES,), jnp.float32),
            pltpu.VMEM((NS * LANES,), jnp.float32),
            pltpu.VMEM((NS * stripe,), jnp.float32),
            pltpu.VMEM((stripe,), jnp.float32),
            pltpu.VMEM((2 * LANES,), jnp.float32),
            pltpu.VMEM_SHARED((n_pad,), jnp.float32),
            pltpu.VMEM_SHARED((n_pad,), jnp.float32),
            pltpu.VMEM_SHARED((NS * LANES,), jnp.float32),
            pltpu.VMEM_SHARED((NS * LANES,), jnp.float32),
            pltpu.VMEM_SHARED((NS * n_pad,), jnp.float32),
            pltpu.SemaphoreType.DMA,
            pltpu.SemaphoreType.DMA,
        ],
    )
    def sc_edge(q_hbm, k_hbm, edge_hbm, aw0_hbm, aw1_hbm, stats_hbm,
                q_v, k_v, win_v, att_v, aw_v,
                red16_v, red_v, stripe_v, out_v, stat_v,
                q_sh, k_sh, max_sh, sum_sh, aw_sh, sem, sem2):
        c = lax.axis_index("c")
        s = lax.axis_index("s")
        ebase = (c * NS + s) * epw
        wc0 = jnp.minimum((ebase // 128) * 128, e - ew)
        off = ebase - wc0

        ecp = pltpu.async_copy(edge_hbm.at[:, pl.ds(wc0, ew)], win_v, sem)
        qcp = pltpu.async_copy(q_hbm.at[pl.ds(s * stripe, stripe)],
                               q_sh.at[pl.ds(s * stripe, stripe)], sem2)
        kcp = pltpu.async_copy(k_hbm.at[pl.ds(s * stripe, stripe)],
                               k_sh.at[pl.ds(s * stripe, stripe)], sem2)

        zeros = jnp.zeros((LANES,), jnp.float32)

        with jax.named_scope("sc_zero"):
            @plsc.parallel_loop(0, n_pad, LANES, unroll=8)
            def _(i):
                aw_v[pl.ds(i, LANES)] = zeros

        with jax.named_scope("sc_qk_hbm"):
            qcp.wait()
            kcp.wait()
            plsc.subcore_barrier()

        with jax.named_scope("sc_qk_wait"):
            cps = [pltpu.async_copy(q_sh, q_v, sem2),
                   pltpu.async_copy(k_sh, k_v, sem2)]
            for cp in cps:
                cp.wait()
            ecp.wait()

        with jax.named_scope("sc_pass1"):
            @plsc.parallel_loop(0, epw, LANES, unroll=4,
                                carry=jnp.full((LANES,), -jnp.inf, jnp.float32))
            def mloc(i, m):
                ridx = win_v[0, pl.ds(off + i, LANES)]
                cidx = win_v[1, pl.ds(off + i, LANES)]
                a = plsc.load_gather(q_v, [ridx]) * plsc.load_gather(k_v, [cidx])
                a = jnp.where(a >= 0.0, a, a * 0.2)
                att_v[pl.ds(i, LANES)] = a
                return jnp.maximum(m, a)

        red16_v[...] = mloc
        with jax.named_scope("sc_maxred"):
            pltpu.sync_copy(red16_v, max_sh.at[pl.ds(s * LANES, LANES)])
            plsc.subcore_barrier()
            pltpu.sync_copy(max_sh, red_v)
        gm = red_v[pl.ds(0, LANES)]
        for t in range(1, NS):
            gm = jnp.maximum(gm, red_v[pl.ds(t * LANES, LANES)])
        m_vec = jnp.full((LANES,), jnp.max(gm), jnp.float32)

        scope2 = jax.named_scope("sc_pass2")
        scope2.__enter__()

        @plsc.parallel_loop(0, epw, LANES, unroll=4,
                            carry=jnp.zeros((LANES,), jnp.float32))
        def ssum(i, acc):
            ridx = win_v[0, pl.ds(off + i, LANES)]
            p = jnp.exp(att_v[pl.ds(i, LANES)] - m_vec)
            plsc.addupdate_scatter(aw_v, [ridx], p)
            return acc + p

        scope2.__exit__(None, None, None)

        red16_v[...] = ssum
        with jax.named_scope("sc_awstage"):
            pltpu.sync_copy(red16_v, sum_sh.at[pl.ds(s * LANES, LANES)])
            pltpu.sync_copy(aw_v, aw_sh.at[pl.ds(s * n_pad, n_pad)])
            plsc.subcore_barrier()

        scope3 = jax.named_scope("sc_striperd")
        scope3.__enter__()
        base = s * stripe
        scps = [pltpu.async_copy(aw_sh.at[pl.ds(t * n_pad + base, stripe)],
                                 stripe_v.at[pl.ds(t * stripe, stripe)], sem)
                for t in range(NS)]
        for cp in scps:
            cp.wait()

        @plsc.parallel_loop(0, stripe, LANES, unroll=2)
        def _(j):
            acc = stripe_v[pl.ds(j, LANES)]
            for t in range(1, NS):
                acc = acc + stripe_v[pl.ds(t * stripe + j, LANES)]
            out_v[pl.ds(j, LANES)] = acc

        @pl.when(s == NS - 1)
        def _():
            @plsc.parallel_loop(real_last, stripe, LANES)
            def _(j):
                out_v[pl.ds(j, LANES)] = zeros

        @pl.when(c == 0)
        def _():
            pltpu.sync_copy(out_v, aw0_hbm.at[pl.ds(base, stripe)])

        @pl.when(c == 1)
        def _():
            pltpu.sync_copy(out_v, aw1_hbm.at[pl.ds(base, stripe)])

        scope3.__exit__(None, None, None)

        @pl.when(s == 0)
        def _():
            pltpu.sync_copy(sum_sh, red_v)
            sv = red_v[pl.ds(0, LANES)]
            for t in range(1, NS):
                sv = sv + red_v[pl.ds(t * LANES, LANES)]
            stat_v[pl.ds(0, LANES)] = m_vec
            stat_v[pl.ds(LANES, LANES)] = sv
            pltpu.sync_copy(stat_v, stats_hbm.at[pl.ds(c * 2 * LANES, 2 * LANES)])

    return sc_edge



def _make_fin(n, d, blk):
    def _fin_body(stats_ref, aw0_ref, aw1_ref, x_ref, wv_ref, bv_ref,
                  aw_ref, ge_ref):
        i = pl.program_id(0)
        sv = stats_ref[...]
        m0 = jnp.max(sv[0:LANES])
        m1 = jnp.max(sv[2 * LANES:3 * LANES])
        mg = jnp.maximum(m0, m1)
        w0 = jnp.exp(m0 - mg)
        w1 = jnp.exp(m1 - mg)
        z = w0 * jnp.sum(sv[LANES:2 * LANES]) + w1 * jnp.sum(sv[3 * LANES:])
        awb = (w0 * aw0_ref[...] + w1 * aw1_ref[...]) * (1.0 / z)
        aw_ref[...] = awb
        part = jnp.dot(awb.reshape(1, blk), x_ref[...],
                       preferred_element_type=jnp.float32)

        @pl.when(i == 0)
        def _():
            ge_ref[...] = part[0]

        @pl.when(i > 0)
        def _():
            ge_ref[...] = ge_ref[...] + part[0]

        @pl.when(i == pl.num_programs(0) - 1)
        def _():
            ge_ref[...] = jnp.dot(ge_ref[...].reshape(1, d), wv_ref[...],
                                  preferred_element_type=jnp.float32)[0] \
                          + bv_ref[...]

    return _fin_body


def _finish(stats, aw0, aw1, x, Wv, bv):
    n, d = x.shape
    blk = 2048
    grid = (n + blk - 1) // blk
    return pl.pallas_call(
        _make_fin(n, d, blk),
        grid=(grid,),
        in_specs=[
            pl.BlockSpec((4 * LANES,), lambda i: (0,)),
            pl.BlockSpec((blk,), lambda i: (i,)),
            pl.BlockSpec((blk,), lambda i: (i,)),
            pl.BlockSpec((blk, d), lambda i: (i, 0)),
            pl.BlockSpec((d, d), lambda i: (0, 0)),
            pl.BlockSpec((d,), lambda i: (0,)),
        ],
        out_specs=[
            pl.BlockSpec((blk,), lambda i: (i,)),
            pl.BlockSpec((d,), lambda i: (0,)),
        ],
        out_shape=[
            jax.ShapeDtypeStruct((n,), jnp.float32),
            jax.ShapeDtypeStruct((d,), jnp.float32),
        ],
    )(stats, aw0, aw1, x, Wv, bv)


def kernel(x, edge_index, Wq, bq, Wk, bk, Wv, bv):
    n, d = x.shape
    e = edge_index.shape[1]
    q1, k1 = _compute_qk(x, jnp.concatenate([Wq, Wk], axis=1), bq, bk)
    aw0, aw1, stats = _make_sc_edge(n, e)(q1, k1, edge_index)
    aw, ge = _finish(stats, aw0, aw1, x, Wv, bv)
    return (ge, aw)

# --- scband reference (transcript-rebuilt; emitter-appended) ---
"""Pipeline reference for scband-attention-pool-56573309223705 (READ-ONLY COPY).

The authoritative reference and input builder live on the scoring server;
editing this copy changes nothing except your own understanding.
"""

import jax, jax.numpy as jnp
import numpy as np

N = 10000
E = 320000
D = 128
C = 1

def setup_inputs(seed: int = 0) -> dict:
    key = jax.random.key(seed)
    ks = jax.random.split(key, 8)
    x = jax.random.normal(ks[0], (N, D), dtype=jnp.float32)
    edge_index = jax.random.randint(ks[1], (2, E), 0, N, dtype=jnp.int32)
    s = 1.0 / np.sqrt(D)
    Wq = jax.random.uniform(ks[2], (D, C), dtype=jnp.float32, minval=-s, maxval=s)
    bq = jax.random.uniform(ks[3], (C,), dtype=jnp.float32, minval=-s, maxval=s)
    Wk = jax.random.uniform(ks[4], (D, C), dtype=jnp.float32, minval=-s, maxval=s)
    bk = jax.random.uniform(ks[5], (C,), dtype=jnp.float32, minval=-s, maxval=s)
    Wv = jax.random.uniform(ks[6], (D, D), dtype=jnp.float32, minval=-s, maxval=s)
    bv = jax.random.uniform(ks[7], (D,), dtype=jnp.float32, minval=-s, maxval=s)
    return {"x": x, "edge_index": edge_index, "Wq": Wq, "bq": bq, "Wk": Wk, "bk": bk, "Wv": Wv, "bv": bv}

def reference(x, edge_index, Wq, bq, Wk, bk, Wv, bv):
    num_nodes = x.shape[0]
    q = x @ Wq + bq
    k = x @ Wk + bk
    v = x @ Wv + bv
    row = edge_index[0]
    col = edge_index[1]
    attention = jnp.sum(q[row] * k[col], axis=-1)
    attention = jax.nn.leaky_relu(attention, negative_slope=0.2)
    attention = jax.nn.softmax(attention, axis=0)
    attention_weights = jnp.zeros((num_nodes,), dtype=x.dtype).at[row].add(attention)
    graph_emb = jnp.sum(attention_weights[:, None] * v, axis=0)
    return (graph_emb, attention_weights)

if __name__ == "__main__":
    import jax
    _d = setup_inputs()
    print(jax.jit(kernel)(*tuple(_d.values())))

</pallas_src>

<mosaic_0001>
#map = affine_map<(d0, d1) -> (0)>
#map1 = affine_map<(d0, d1) -> (0, 0)>
module attributes {stable_mosaic.version = 14 : i64} {
  func.func @sc_edge(%arg0: i32, %arg1: i32, %arg2: memref<10240xf32, #tpu.memory_space<hbm>>, %arg3: memref<10240xf32, #tpu.memory_space<hbm>>, %arg4: memref<2x320000xi32, #tpu.memory_space<hbm>>, %arg5: memref<10240xf32, #tpu.memory_space<hbm>>, %arg6: memref<10240xf32, #tpu.memory_space<hbm>>, %arg7: memref<64xf32, #tpu.memory_space<hbm>>, %arg8: memref<10240xf32, #tpu.memory_space<vmem>>, %arg9: memref<10240xf32, #tpu.memory_space<vmem>>, %arg10: memref<2x10240xi32, #tpu.memory_space<vmem>>, %arg11: memref<10000xf32, #tpu.memory_space<vmem>>, %arg12: memref<10240xf32, #tpu.memory_space<vmem>>, %arg13: memref<16xf32, #tpu.memory_space<vmem>>, %arg14: memref<256xf32, #tpu.memory_space<vmem>>, %arg15: memref<10240xf32, #tpu.memory_space<vmem>>, %arg16: memref<640xf32, #tpu.memory_space<vmem>>, %arg17: memref<32xf32, #tpu.memory_space<vmem>>, %arg18: memref<10240xf32, #tpu.memory_space<vmem_shared>>, %arg19: memref<10240xf32, #tpu.memory_space<vmem_shared>>, %arg20: memref<256xf32, #tpu.memory_space<vmem_shared>>, %arg21: memref<256xf32, #tpu.memory_space<vmem_shared>>, %arg22: memref<163840xf32, #tpu.memory_space<vmem_shared>>, %arg23: memref<!tpu.dma_semaphore, #tpu.memory_space<semaphore_mem>>, %arg24: memref<!tpu.dma_semaphore, #tpu.memory_space<semaphore_mem>>) attributes {dimension_semantics = [#tpu.dimension_semantics<core_parallel>, #tpu.dimension_semantics<subcore_parallel>], iteration_bounds = array<i64: 2, 16>, scalar_prefetch = 0 : i64, scratch_operands = 17 : i64, tpu.core_type = #tpu.core_type<sc_vector_subcore>, window_params = [{transform_indices = #map}, {transform_indices = #map}, {transform_indices = #map1}, {transform_indices = #map}, {transform_indices = #map}, {transform_indices = #map}]} {
    %mul3A = arith.constant 16 : i32
    %mul3A_0 = arith.muli %arg0, %mul3A : i32
    %add3A = arith.addi %mul3A_0, %arg1 : i32
    %mul3A_1 = arith.constant 10000 : i32
    %mul3A_2 = arith.muli %add3A, %mul3A_1 : i32
    %jit3A = arith.constant 128 : i32
    %div3A = arith.divsi %mul3A_2, %jit3A : i32
    %sign3A = arith.constant 0 : i32
    %sign3A_3 = arith.cmpi sgt, %mul3A_2, %sign3A : i32
    %sign3A_4 = arith.extui %sign3A_3 : i1 to i32
    %sign3A_5 = arith.constant 0 : i32
    %sign3A_6 = arith.cmpi slt, %mul3A_2, %sign3A_5 : i32
    %sign3A_7 = arith.extui %sign3A_6 : i1 to i32
    %sign3A_8 = arith.subi %sign3A_4, %sign3A_7 : i32
    %sign3A_9 = arith.constant 0 : i32
    %sign3A_10 = arith.cmpi sgt, %jit3A, %sign3A_9 : i32
    %sign3A_11 = arith.extui %sign3A_10 : i1 to i32
    %sign3A_12 = arith.constant 0 : i32
    %sign3A_13 = arith.cmpi slt, %jit3A, %sign3A_12 : i32
    %sign3A_14 = arith.extui %sign3A_13 : i1 to i32
    %sign3A_15 = arith.subi %sign3A_11, %sign3A_14 : i32
    %ne3A = arith.cmpi ne, %sign3A_8, %sign3A_15 : i32
    %rem3A = arith.remsi %mul3A_2, %jit3A : i32
    %ne3A_16 = arith.constant 0 : i32
    %ne3A_17 = arith.cmpi ne, %rem3A, %ne3A_16 : i32
    %and3A = arith.andi %ne3A, %ne3A_17 : i1
    %sub3A = arith.constant 1 : i32
    %sub3A_18 = arith.subi %div3A, %sub3A : i32
    %select_n3A = arith.select %and3A, %sub3A_18, %div3A : i32
    %mul3A_19 = arith.constant 128 : i32
    %mul3A_20 = arith.muli %select_n3A, %mul3A_19 : i32
    %min3A = arith.constant 309760 : i32
    %min3A_21 = arith.minsi %mul3A_20, %min3A : i32
    %sub3A_22 = arith.subi %mul3A_2, %min3A_21 : i32
    %dma_start3A = arith.constant 0 : i32
    %dma_start3A_23 = tpu.memref_slice %arg4[%dma_start3A, %min3A_21] : memref<2x320000xi32, #tpu.memory_space<hbm>> -> memref<2x10240xi32, #tpu.memory_space<hbm>>
    %dma_start3A_24 = arith.constant 0 : i32
    %dma_start3A_25 = tpu.memref_slice %arg4[%dma_start3A_24, %min3A_21] : memref<2x320000xi32, #tpu.memory_space<hbm>> -> memref<2x10240xi32, #tpu.memory_space<hbm>>
    tpu.enqueue_dma source(%dma_start3A_25 : memref<2x10240xi32, #tpu.memory_space<hbm>>) target(%arg10 : memref<2x10240xi32, #tpu.memory_space<vmem>>) target_semaphore(%arg23 : memref<!tpu.dma_semaphore, #tpu.memory_space<semaphore_mem>>)
    %mul3A_26 = arith.constant 640 : i32
    %mul3A_27 = arith.muli %arg1, %mul3A_26 : i32
    %mul3A_28 = arith.constant 640 : i32
    %mul3A_29 = arith.muli %arg1, %mul3A_28 : i32
    %dma_start3A_30 = tpu.memref_slice %arg18[%mul3A_29] : memref<10240xf32, #tpu.memory_space<vmem_shared>> -> memref<640xf32, #tpu.memory_space<vmem_shared>>
    %dma_start3A_31 = tpu.memref_slice %arg2[%mul3A_27] : memref<10240xf32, #tpu.memory_space<hbm>> -> memref<640xf32, #tpu.memory_space<hbm>>
    tpu.enqueue_dma source(%dma_start3A_31 : memref<640xf32, #tpu.memory_space<hbm>>) target(%dma_start3A_30 : memref<640xf32, #tpu.memory_space<vmem_shared>>) target_semaphore(%arg24 : memref<!tpu.dma_semaphore, #tpu.memory_space<semaphore_mem>>)
    %mul3A_32 = arith.constant 640 : i32
    %mul3A_33 = arith.muli %arg1, %mul3A_32 : i32
    %mul3A_34 = arith.constant 640 : i32
    %mul3A_35 = arith.muli %arg1, %mul3A_34 : i32
    %dma_start3A_36 = tpu.memref_slice %arg19[%mul3A_35] : memref<10240xf32, #tpu.memory_space<vmem_shared>> -> memref<640xf32, #tpu.memory_space<vmem_shared>>
    %dma_start3A_37 = tpu.memref_slice %arg3[%mul3A_33] : memref<10240xf32, #tpu.memory_space<hbm>> -> memref<640xf32, #tpu.memory_space<hbm>>
    tpu.enqueue_dma source(%dma_start3A_37 : memref<640xf32, #tpu.memory_space<hbm>>) target(%dma_start3A_36 : memref<640xf32, #tpu.memory_space<vmem_shared>>) target_semaphore(%arg24 : memref<!tpu.dma_semaphore, #tpu.memory_space<semaphore_mem>>)
    %broadcast_in_dim3A = arith.constant 0.000000e+00 : f32
    %broadcast_in_dim3A_38 = vector.broadcast %broadcast_in_dim3A : f32 to vector<16xf32>
    %parallel_loop3A = arith.constant 0 : i32
    %parallel_loop3A_39 = arith.constant 10240 : i32
    %parallel_loop3A_40 = arith.constant 16 : i32
    "tpu.trace_start"() <{level = 10 : i32, message = "sc_zero"}> : () -> ()
    scf.for %parallel_loop3A_366 = %parallel_loop3A to %parallel_loop3A_39 step %parallel_loop3A_40  : i32 {
      %parallel_loop3A_367 = arith.index_cast %parallel_loop3A_366 : i32 to index
      %parallel_loop3A_368 = tpu.vector_load %arg12[%parallel_loop3A_367] {strides = array<i32>} : memref<10240xf32, #tpu.memory_space<vmem>>, vector<16xf32>,
      tpu.vector_store %arg12[%parallel_loop3A_367], %broadcast_in_dim3A_38 {strides = array<i32>} : memref<10240xf32, #tpu.memory_space<vmem>>, vector<16xf32>,
    } {sc.loop_unroll_factor = 8 : i64, sc.parallel_access}
    "tpu.trace_stop"() : () -> ()
    "tpu.trace_start"() <{level = 10 : i32, message = "sc_qk_hbm"}> : () -> ()
    %dma_wait3A = tpu.memref_slice %arg18[%mul3A_29] : memref<10240xf32, #tpu.memory_space<vmem_shared>> -> memref<640xf32, #tpu.memory_space<vmem_shared>>
    %dma_wait3A_41 = tpu.memref_slice %arg2[%mul3A_27] : memref<10240xf32, #tpu.memory_space<hbm>> -> memref<640xf32, #tpu.memory_space<hbm>>
    tpu.wait_dma2 semaphore(%arg24 : memref<!tpu.dma_semaphore, #tpu.memory_space<semaphore_mem>>) src(%dma_wait3A_41 : memref<640xf32, #tpu.memory_space<hbm>>) dst(%dma_wait3A : memref<640xf32, #tpu.memory_space<vmem_shared>>)
    %dma_wait3A_42 = tpu.memref_slice %arg19[%mul3A_35] : memref<10240xf32, #tpu.memory_space<vmem_shared>> -> memref<640xf32, #tpu.memory_space<vmem_shared>>
    %dma_wait3A_43 = tpu.memref_slice %arg3[%mul3A_33] : memref<10240xf32, #tpu.memory_space<hbm>> -> memref<640xf32, #tpu.memory_space<hbm>>
    tpu.wait_dma2 semaphore(%arg24 : memref<!tpu.dma_semaphore, #tpu.memory_space<semaphore_mem>>) src(%dma_wait3A_43 : memref<640xf32, #tpu.memory_space<hbm>>) dst(%dma_wait3A_42 : memref<640xf32, #tpu.memory_space<vmem_shared>>)
    %barrier3A = arith.constant 0 : index
    tpu.barrier barrier_id(%barrier3A)
    "tpu.trace_stop"() : () -> ()
    "tpu.trace_start"() <{level = 10 : i32, message = "sc_qk_wait"}> : () -> ()
    tpu.enqueue_dma source(%arg18 : memref<10240xf32, #tpu.memory_space<vmem_shared>>) target(%arg8 : memref<10240xf32, #tpu.memory_space<vmem>>) target_semaphore(%arg24 : memref<!tpu.dma_semaphore, #tpu.memory_space<semaphore_mem>>)
    tpu.enqueue_dma source(%arg19 : memref<10240xf32, #tpu.memory_space<vmem_shared>>) target(%arg9 : memref<10240xf32, #tpu.memory_space<vmem>>) target_semaphore(%arg24 : memref<!tpu.dma_semaphore, #tpu.memory_space<semaphore_mem>>)
    tpu.wait_dma2 semaphore(%arg24 : memref<!tpu.dma_semaphore, #tpu.memory_space<semaphore_mem>>) src(%arg18 : memref<10240xf32, #tpu.memory_space<vmem_shared>>) dst(%arg8 : memref<10240xf32, #tpu.memory_space<vmem>>)
    tpu.wait_dma2 semaphore(%arg24 : memref<!tpu.dma_semaphore, #tpu.memory_space<semaphore_mem>>) src(%arg19 : memref<10240xf32, #tpu.memory_space<vmem_shared>>) dst(%arg9 : memref<10240xf32, #tpu.memory_space<vmem>>)
    %dma_wait3A_44 = arith.constant 0 : i32
    %dma_wait3A_45 = tpu.memref_slice %arg4[%dma_wait3A_44, %min3A_21] : memref<2x320000xi32, #tpu.memory_space<hbm>> -> memref<2x10240xi32, #tpu.memory_space<hbm>>
    %dma_wait3A_46 = arith.constant 0 : i32
    %dma_wait3A_47 = tpu.memref_slice %arg4[%dma_wait3A_46, %min3A_21] : memref<2x320000xi32, #tpu.memory_space<hbm>> -> memref<2x10240xi32, #tpu.memory_space<hbm>>
    tpu.wait_dma2 semaphore(%arg23 : memref<!tpu.dma_semaphore, #tpu.memory_space<semaphore_mem>>) src(%dma_wait3A_47 : memref<2x10240xi32, #tpu.memory_space<hbm>>) dst(%arg10 : memref<2x10240xi32, #tpu.memory_space<vmem>>)
    %broadcast_in_dim3A_48 = arith.constant 0xFF800000 : f32
    "tpu.trace_stop"() : () -> ()
    "tpu.trace_start"() <{level = 10 : i32, message = "sc_pass1"}> : () -> ()
    %broadcast_in_dim3A_49 = vector.broadcast %broadcast_in_dim3A_48 : f32 to vector<16xf32>
    %parallel_loop3A_50 = arith.constant 0 : i32
    %parallel_loop3A_51 = arith.constant 10000 : i32
    %parallel_loop3A_52 = arith.constant 16 : i32
    %parallel_loop3A_53 = scf.for %parallel_loop3A_366 = %parallel_loop3A_50 to %parallel_loop3A_51 step %parallel_loop3A_52 iter_args(%parallel_loop3A_367 = %broadcast_in_dim3A_49) -> (vector<16xf32>)  : i32 {
      %parallel_loop3A_368 = arith.addi %sub3A_22, %parallel_loop3A_366 : i32
      %parallel_loop3A_369 = arith.constant 0 : i32
      %parallel_loop3A_370 = arith.index_cast %parallel_loop3A_369 : i32 to index
      %parallel_loop3A_371 = arith.index_cast %parallel_loop3A_368 : i32 to index
      %parallel_loop3A_372 = tpu.vector_load %arg10[%parallel_loop3A_370, %parallel_loop3A_371] {strides = array<i32>} : memref<2x10240xi32, #tpu.memory_space<vmem>>, vector<16xi32>,
      %parallel_loop3A_373 = arith.addi %sub3A_22, %parallel_loop3A_366 : i32
      %parallel_loop3A_374 = arith.constant 1 : i32
      %parallel_loop3A_375 = arith.index_cast %parallel_loop3A_374 : i32 to index
      %parallel_loop3A_376 = arith.index_cast %parallel_loop3A_373 : i32 to index
      %parallel_loop3A_377 = tpu.vector_load %arg10[%parallel_loop3A_375, %parallel_loop3A_376] {strides = array<i32>} : memref<2x10240xi32, #tpu.memory_space<vmem>>, vector<16xi32>,
      %parallel_loop3A_378 = tpu.vector_load_idx %arg8[%parallel_loop3A_372] : memref<10240xf32, #tpu.memory_space<vmem>>[vector<16xi32>], vector<16xf32>,
      %parallel_loop3A_379 = tpu.vector_load_idx %arg9[%parallel_loop3A_377] : memref<10240xf32, #tpu.memory_space<vmem>>[vector<16xi32>], vector<16xf32>,
      %parallel_loop3A_380 = arith.mulf %parallel_loop3A_378, %parallel_loop3A_379 : vector<16xf32>
      %parallel_loop3A_381 = arith.constant 0.000000e+00 : f32
      %parallel_loop3A_382 = vector.broadcast %parallel_loop3A_381 : f32 to vector<16xf32>
      %parallel_loop3A_383 = arith.cmpf oge, %parallel_loop3A_380, %parallel_loop3A_382 : vector<16xf32>
      %parallel_loop3A_384 = arith.constant 2.000000e-01 : f32
      %parallel_loop3A_385 = vector.broadcast %parallel_loop3A_384 : f32 to vector<16xf32>
      %parallel_loop3A_386 = arith.mulf %parallel_loop3A_380, %parallel_loop3A_385 : vector<16xf32>
      %parallel_loop3A_387 = arith.select %parallel_loop3A_383, %parallel_loop3A_380, %parallel_loop3A_386 : vector<16xi1>, vector<16xf32>
      %parallel_loop3A_388 = arith.index_cast %parallel_loop3A_366 : i32 to index
      %parallel_loop3A_389 = tpu.vector_load %arg11[%parallel_loop3A_388] {strides = array<i32>} : memref<10000xf32, #tpu.memory_space<vmem>>, vector<16xf32>,
      tpu.vector_store %arg11[%parallel_loop3A_388], %parallel_loop3A_387 {strides = array<i32>} : memref<10000xf32, #tpu.memory_space<vmem>>, vector<16xf32>,
      %parallel_loop3A_390 = arith.maximumf %parallel_loop3A_367, %parallel_loop3A_387 : vector<16xf32>
      scf.yield %parallel_loop3A_390 : vector<16xf32>
    } {sc.loop_unroll_factor = 4 : i64, sc.parallel_access}
    "tpu.trace_stop"() : () -> ()
    %swap3A = arith.constant 0 : index
    %swap3A_54 = tpu.vector_load %arg13[%swap3A] {strides = array<i32>} : memref<16xf32, #tpu.memory_space<vmem>>, vector<16xf32>,
    tpu.vector_store %arg13[%swap3A], %parallel_loop3A_53 {strides = array<i32>} : memref<16xf32, #tpu.memory_space<vmem>>, vector<16xf32>,
    "tpu.trace_start"() <{level = 10 : i32, message = "sc_maxred"}> : () -> ()
    %mul3A_55 = arith.constant 16 : i32
    %mul3A_56 = arith.muli %arg1, %mul3A_55 : i32
    "tpu.region"() ({
      %run_scoped3A = tpu.sem_alloc : memref<!tpu.dma_semaphore, #tpu.memory_space<semaphore_mem>>
      %dma_start3A_366 = tpu.memref_slice %arg20[%mul3A_56] : memref<256xf32, #tpu.memory_space<vmem_shared>> -> memref<16xf32, #tpu.memory_space<vmem_shared>>
      %dma_start3A_367 = tpu.memref_slice %arg20[%mul3A_56] : memref<256xf32, #tpu.memory_space<vmem_shared>> -> memref<16xf32, #tpu.memory_space<vmem_shared>>
      tpu.enqueue_dma source(%arg13 : memref<16xf32, #tpu.memory_space<vmem>>) target(%dma_start3A_367 : memref<16xf32, #tpu.memory_space<vmem_shared>>) target_semaphore(%run_scoped3A : memref<!tpu.dma_semaphore, #tpu.memory_space<semaphore_mem>>)
      %dma_wait3A_368 = tpu.memref_slice %arg20[%mul3A_56] : memref<256xf32, #tpu.memory_space<vmem_shared>> -> memref<16xf32, #tpu.memory_space<vmem_shared>>
      %dma_wait3A_369 = tpu.memref_slice %arg20[%mul3A_56] : memref<256xf32, #tpu.memory_space<vmem_shared>> -> memref<16xf32, #tpu.memory_space<vmem_shared>>
      tpu.wait_dma2 semaphore(%run_scoped3A : memref<!tpu.dma_semaphore, #tpu.memory_space<semaphore_mem>>) src(%arg13 : memref<16xf32, #tpu.memory_space<vmem>>) dst(%dma_wait3A_369 : memref<16xf32, #tpu.memory_space<vmem_shared>>)
      tpu.yield
    }) : () -> ()
    %barrier3A_57 = arith.constant 0 : index
    tpu.barrier barrier_id(%barrier3A_57)
    "tpu.region"() ({
      %run_scoped3A = tpu.sem_alloc : memref<!tpu.dma_semaphore, #tpu.memory_space<semaphore_mem>>
      tpu.enqueue_dma source(%arg20 : memref<256xf32, #tpu.memory_space<vmem_shared>>) target(%arg14 : memref<256xf32, #tpu.memory_space<vmem>>) target_semaphore(%run_scoped3A : memref<!tpu.dma_semaphore, #tpu.memory_space<semaphore_mem>>)
      tpu.wait_dma2 semaphore(%run_scoped3A : memref<!tpu.dma_semaphore, #tpu.memory_space<semaphore_mem>>) src(%arg20 : memref<256xf32, #tpu.memory_space<vmem_shared>>) dst(%arg14 : memref<256xf32, #tpu.memory_space<vmem>>)
      tpu.yield
    }) : () -> ()
    "tpu.trace_stop"() : () -> ()
    %get3A = arith.constant 0 : index
    %get3A_58 = tpu.vector_load %arg14[%get3A] {strides = array<i32>} : memref<256xf32, #tpu.memory_space<vmem>>, vector<16xf32>,
    %get3A_59 = arith.constant 16 : index
    %get3A_60 = tpu.vector_load %arg14[%get3A_59] {strides = array<i32>} : memref<256xf32, #tpu.memory_space<vmem>>, vector<16xf32>,
    %max3A = arith.maximumf %get3A_58, %get3A_60 : vector<16xf32>
    %get3A_61 = arith.constant 32 : index
    %get3A_62 = tpu.vector_load %arg14[%get3A_61] {strides = array<i32>} : memref<256xf32, #tpu.memory_space<vmem>>, vector<16xf32>,
    %max3A_63 = arith.maximumf %max3A, %get3A_62 : vector<16xf32>
    %get3A_64 = arith.constant 48 : index
    %get3A_65 = tpu.vector_load %arg14[%get3A_64] {strides = array<i32>} : memref<256xf32, #tpu.memory_space<vmem>>, vector<16xf32>,
    %max3A_66 = arith.maximumf %max3A_63, %get3A_65 : vector<16xf32>
    %get3A_67 = arith.constant 64 : index
    %get3A_68 = tpu.vector_load %arg14[%get3A_67] {strides = array<i32>} : memref<256xf32, #tpu.memory_space<vmem>>, vector<16xf32>,
    %max3A_69 = arith.maximumf %max3A_66, %get3A_68 : vector<16xf32>
    %get3A_70 = arith.constant 80 : index
    %get3A_71 = tpu.vector_load %arg14[%get3A_70] {strides = array<i32>} : memref<256xf32, #tpu.memory_space<vmem>>, vector<16xf32>,
    %max3A_72 = arith.maximumf %max3A_69, %get3A_71 : vector<16xf32>
    %get3A_73 = arith.constant 96 : index
    %get3A_74 = tpu.vector_load %arg14[%get3A_73] {strides = array<i32>} : memref<256xf32, #tpu.memory_space<vmem>>, vector<16xf32>,
    %max3A_75 = arith.maximumf %max3A_72, %get3A_74 : vector<16xf32>
    %get3A_76 = arith.constant 112 : index
    %get3A_77 = tpu.vector_load %arg14[%get3A_76] {strides = array<i32>} : memref<256xf32, #tpu.memory_space<vmem>>, vector<16xf32>,
    %max3A_78 = arith.maximumf %max3A_75, %get3A_77 : vector<16xf32>
    %get3A_79 = arith.constant 128 : index
    %get3A_80 = tpu.vector_load %arg14[%get3A_79] {strides = array<i32>} : memref<256xf32, #tpu.memory_space<vmem>>, vector<16xf32>,
    %max3A_81 = arith.maximumf %max3A_78, %get3A_80 : vector<16xf32>
    %get3A_82 = arith.constant 144 : index
    %get3A_83 = tpu.vector_load %arg14[%get3A_82] {strides = array<i32>} : memref<256xf32, #tpu.memory_space<vmem>>, vector<16xf32>,
    %max3A_84 = arith.maximumf %max3A_81, %get3A_83 : vector<16xf32>
    %get3A_85 = arith.constant 160 : index
    %get3A_86 = tpu.vector_load %arg14[%get3A_85] {strides = array<i32>} : memref<256xf32, #tpu.memory_space<vmem>>, vector<16xf32>,
    %max3A_87 = arith.maximumf %max3A_84, %get3A_86 : vector<16xf32>
    %get3A_88 = arith.constant 176 : index
    %get3A_89 = tpu.vector_load %arg14[%get3A_88] {strides = array<i32>} : memref<256xf32, #tpu.memory_space<vmem>>, vector<16xf32>,
    %max3A_90 = arith.maximumf %max3A_87, %get3A_89 : vector<16xf32>
    %get3A_91 = arith.constant 192 : index
    %get3A_92 = tpu.vector_load %arg14[%get3A_91] {strides = array<i32>} : memref<256xf32, #tpu.memory_space<vmem>>, vector<16xf32>,
    %max3A_93 = arith.maximumf %max3A_90, %get3A_92 : vector<16xf32>
    %get3A_94 = arith.constant 208 : index
    %get3A_95 = tpu.vector_load %arg14[%get3A_94] {strides = array<i32>} : memref<256xf32, #tpu.memory_space<vmem>>, vector<16xf32>,
    %max3A_96 = arith.maximumf %max3A_93, %get3A_95 : vector<16xf32>
    %get3A_97 = arith.constant 224 : index
    %get3A_98 = tpu.vector_load %arg14[%get3A_97] {strides = array<i32>} : memref<256xf32, #tpu.memory_space<vmem>>, vector<16xf32>,
    %max3A_99 = arith.maximumf %max3A_96, %get3A_98 : vector<16xf32>
    %get3A_100 = arith.constant 240 : index
    %get3A_101 = tpu.vector_load %arg14[%get3A_100] {strides = array<i32>} : memref<256xf32, #tpu.memory_space<vmem>>, vector<16xf32>,
    %max3A_102 = arith.maximumf %max3A_99, %get3A_101 : vector<16xf32>
    %reduce_max3A = arith.constant true
    %reduce_max3A_103 = vector.broadcast %reduce_max3A : i1 to vector<16xi1>
    %reduce_max3A_104 = tpu.scan <max>, %max3A_102 masked %reduce_max3A_103 : vector<16xf32>, vector<16xi1> -> vector<16xf32>
    %reduce_max3A_105 = vector.extract %reduce_max3A_104[15] : f32 from vector<16xf32>
    %broadcast_in_dim3A_106 = vector.broadcast %reduce_max3A_105 : f32 to vector<16xf32>
    %broadcast_in_dim3A_107 = arith.constant 0.000000e+00 : f32
    "tpu.trace_start"() <{level = 10 : i32, message = "sc_pass2"}> : () -> ()
    %broadcast_in_dim3A_108 = vector.broadcast %broadcast_in_dim3A_107 : f32 to vector<16xf32>
    %parallel_loop3A_109 = arith.constant 0 : i32
    %parallel_loop3A_110 = arith.constant 10000 : i32
    %parallel_loop3A_111 = arith.constant 16 : i32
    %parallel_loop3A_112 = scf.for %parallel_loop3A_366 = %parallel_loop3A_109 to %parallel_loop3A_110 step %parallel_loop3A_111 iter_args(%parallel_loop3A_367 = %broadcast_in_dim3A_108) -> (vector<16xf32>)  : i32 {
      %parallel_loop3A_368 = arith.addi %sub3A_22, %parallel_loop3A_366 : i32
      %parallel_loop3A_369 = arith.constant 0 : i32
      %parallel_loop3A_370 = arith.index_cast %parallel_loop3A_369 : i32 to index
      %parallel_loop3A_371 = arith.index_cast %parallel_loop3A_368 : i32 to index
      %parallel_loop3A_372 = tpu.vector_load %arg10[%parallel_loop3A_370, %parallel_loop3A_371] {strides = array<i32>} : memref<2x10240xi32, #tpu.memory_space<vmem>>, vector<16xi32>,
      %parallel_loop3A_373 = arith.index_cast %parallel_loop3A_366 : i32 to index
      %parallel_loop3A_374 = tpu.vector_load %arg11[%parallel_loop3A_373] {strides = array<i32>} : memref<10000xf32, #tpu.memory_space<vmem>>, vector<16xf32>,
      %parallel_loop3A_375 = arith.subf %parallel_loop3A_374, %broadcast_in_dim3A_106 : vector<16xf32>
      %parallel_loop3A_376 = math.exp %parallel_loop3A_375 : vector<16xf32>
      tpu.vector_store_idx %arg12[%parallel_loop3A_372], %parallel_loop3A_376 {add = true} : memref<10240xf32, #tpu.memory_space<vmem>>[vector<16xi32>], vector<16xf32>,
      %parallel_loop3A_377 = arith.addf %parallel_loop3A_367, %parallel_loop3A_376 : vector<16xf32>
      scf.yield %parallel_loop3A_377 : vector<16xf32>
    } {sc.loop_unroll_factor = 4 : i64, sc.parallel_access}
    "tpu.trace_stop"() : () -> ()
    %swap3A_113 = arith.constant 0 : index
    %swap3A_114 = tpu.vector_load %arg13[%swap3A_113] {strides = array<i32>} : memref<16xf32, #tpu.memory_space<vmem>>, vector<16xf32>,
    tpu.vector_store %arg13[%swap3A_113], %parallel_loop3A_112 {strides = array<i32>} : memref<16xf32, #tpu.memory_space<vmem>>, vector<16xf32>,
    "tpu.trace_start"() <{level = 10 : i32, message = "sc_awstage"}> : () -> ()
    %mul3A_115 = arith.constant 16 : i32
    %mul3A_116 = arith.muli %arg1, %mul3A_115 : i32
    "tpu.region"() ({
      %run_scoped3A = tpu.sem_alloc : memref<!tpu.dma_semaphore, #tpu.memory_space<semaphore_mem>>
      %dma_start3A_366 = tpu.memref_slice %arg21[%mul3A_116] : memref<256xf32, #tpu.memory_space<vmem_shared>> -> memref<16xf32, #tpu.memory_space<vmem_shared>>
      %dma_start3A_367 = tpu.memref_slice %arg21[%mul3A_116] : memref<256xf32, #tpu.memory_space<vmem_shared>> -> memref<16xf32, #tpu.memory_space<vmem_shared>>
      tpu.enqueue_dma source(%arg13 : memref<16xf32, #tpu.memory_space<vmem>>) target(%dma_start3A_367 : memref<16xf32, #tpu.memory_space<vmem_shared>>) target_semaphore(%run_scoped3A : memref<!tpu.dma_semaphore, #tpu.memory_space<semaphore_mem>>)
      %dma_wait3A_368 = tpu.memref_slice %arg21[%mul3A_116] : memref<256xf32, #tpu.memory_space<vmem_shared>> -> memref<16xf32, #tpu.memory_space<vmem_shared>>
      %dma_wait3A_369 = tpu.memref_slice %arg21[%mul3A_116] : memref<256xf32, #tpu.memory_space<vmem_shared>> -> memref<16xf32, #tpu.memory_space<vmem_shared>>
      tpu.wait_dma2 semaphore(%run_scoped3A : memref<!tpu.dma_semaphore, #tpu.memory_space<semaphore_mem>>) src(%arg13 : memref<16xf32, #tpu.memory_space<vmem>>) dst(%dma_wait3A_369 : memref<16xf32, #tpu.memory_space<vmem_shared>>)
      tpu.yield
    }) : () -> ()
    %mul3A_117 = arith.constant 10240 : i32
    %mul3A_118 = arith.muli %arg1, %mul3A_117 : i32
    "tpu.region"() ({
      %run_scoped3A = tpu.sem_alloc : memref<!tpu.dma_semaphore, #tpu.memory_space<semaphore_mem>>
      %dma_start3A_366 = tpu.memref_slice %arg22[%mul3A_118] : memref<163840xf32, #tpu.memory_space<vmem_shared>> -> memref<10240xf32, #tpu.memory_space<vmem_shared>>
      %dma_start3A_367 = tpu.memref_slice %arg22[%mul3A_118] : memref<163840xf32, #tpu.memory_space<vmem_shared>> -> memref<10240xf32, #tpu.memory_space<vmem_shared>>
      tpu.enqueue_dma source(%arg12 : memref<10240xf32, #tpu.memory_space<vmem>>) target(%dma_start3A_367 : memref<10240xf32, #tpu.memory_space<vmem_shared>>) target_semaphore(%run_scoped3A : memref<!tpu.dma_semaphore, #tpu.memory_space<semaphore_mem>>)
      %dma_wait3A_368 = tpu.memref_slice %arg22[%mul3A_118] : memref<163840xf32, #tpu.memory_space<vmem_shared>> -> memref<10240xf32, #tpu.memory_space<vmem_shared>>
      %dma_wait3A_369 = tpu.memref_slice %arg22[%mul3A_118] : memref<163840xf32, #tpu.memory_space<vmem_shared>> -> memref<10240xf32, #tpu.memory_space<vmem_shared>>
      tpu.wait_dma2 semaphore(%run_scoped3A : memref<!tpu.dma_semaphore, #tpu.memory_space<semaphore_mem>>) src(%arg12 : memref<10240xf32, #tpu.memory_space<vmem>>) dst(%dma_wait3A_369 : memref<10240xf32, #tpu.memory_space<vmem_shared>>)
      tpu.yield
    }) : () -> ()
    %barrier3A_119 = arith.constant 0 : index
    tpu.barrier barrier_id(%barrier3A_119)
    "tpu.trace_stop"() : () -> ()
    "tpu.trace_start"() <{level = 10 : i32, message = "sc_striperd"}> : () -> ()
    %mul3A_120 = arith.constant 640 : i32
    %mul3A_121 = arith.muli %arg1, %mul3A_120 : i32
    %add3A_122 = arith.constant 0 : i32
    %add3A_123 = arith.addi %add3A_122, %mul3A_121 : i32
    %dma_start3A_124 = arith.constant 0 : i32
    %dma_start3A_125 = tpu.memref_slice %arg15[%dma_start3A_124] : memref<10240xf32, #tpu.memory_space<vmem>> -> memref<640xf32, #tpu.memory_space<vmem>>
    %dma_start3A_126 = tpu.memref_slice %arg22[%add3A_123] : memref<163840xf32, #tpu.memory_space<vmem_shared>> -> memref<640xf32, #tpu.memory_space<vmem_shared>>
    %dma_start3A_127 = arith.constant 0 : i32
    %dma_start3A_128 = tpu.memref_slice %arg15[%dma_start3A_127] : memref<10240xf32, #tpu.memory_space<vmem>> -> memref<640xf32, #tpu.memory_space<vmem>>
    %dma_start3A_129 = tpu.memref_slice %arg22[%add3A_123] : memref<163840xf32, #tpu.memory_space<vmem_shared>> -> memref<640xf32, #tpu.memory_space<vmem_shared>>
    tpu.enqueue_dma source(%dma_start3A_129 : memref<640xf32, #tpu.memory_space<vmem_shared>>) target(%dma_start3A_128 : memref<640xf32, #tpu.memory_space<vmem>>) target_semaphore(%arg23 : memref<!tpu.dma_semaphore, #tpu.memory_space<semaphore_mem>>)
    %add3A_130 = arith.constant 10240 : i32
    %add3A_131 = arith.addi %add3A_130, %mul3A_121 : i32
    %dma_start3A_132 = arith.constant 640 : i32
    %dma_start3A_133 = tpu.memref_slice %arg15[%dma_start3A_132] : memref<10240xf32, #tpu.memory_space<vmem>> -> memref<640xf32, #tpu.memory_space<vmem>>
    %dma_start3A_134 = tpu.memref_slice %arg22[%add3A_131] : memref<163840xf32, #tpu.memory_space<vmem_shared>> -> memref<640xf32, #tpu.memory_space<vmem_shared>>
    %dma_start3A_135 = arith.constant 640 : i32
    %dma_start3A_136 = tpu.memref_slice %arg15[%dma_start3A_135] : memref<10240xf32, #tpu.memory_space<vmem>> -> memref<640xf32, #tpu.memory_space<vmem>>
    %dma_start3A_137 = tpu.memref_slice %arg22[%add3A_131] : memref<163840xf32, #tpu.memory_space<vmem_shared>> -> memref<640xf32, #tpu.memory_space<vmem_shared>>
    tpu.enqueue_dma source(%dma_start3A_137 : memref<640xf32, #tpu.memory_space<vmem_shared>>) target(%dma_start3A_136 : memref<640xf32, #tpu.memory_space<vmem>>) target_semaphore(%arg23 : memref<!tpu.dma_semaphore, #tpu.memory_space<semaphore_mem>>)
    %add3A_138 = arith.constant 20480 : i32
    %add3A_139 = arith.addi %add3A_138, %mul3A_121 : i32
    %dma_start3A_140 = arith.constant 1280 : i32
    %dma_start3A_141 = tpu.memref_slice %arg15[%dma_start3A_140] : memref<10240xf32, #tpu.memory_space<vmem>> -> memref<640xf32, #tpu.memory_space<vmem>>
    %dma_start3A_142 = tpu.memref_slice %arg22[%add3A_139] : memref<163840xf32, #tpu.memory_space<vmem_shared>> -> memref<640xf32, #tpu.memory_space<vmem_shared>>
    %dma_start3A_143 = arith.constant 1280 : i32
    %dma_start3A_144 = tpu.memref_slice %arg15[%dma_start3A_143] : memref<10240xf32, #tpu.memory_space<vmem>> -> memref<640xf32, #tpu.memory_space<vmem>>
    %dma_start3A_145 = tpu.memref_slice %arg22[%add3A_139] : memref<163840xf32, #tpu.memory_space<vmem_shared>> -> memref<640xf32, #tpu.memory_space<vmem_shared>>
    tpu.enqueue_dma source(%dma_start3A_145 : memref<640xf32, #tpu.memory_space<vmem_shared>>) target(%dma_start3A_144 : memref<640xf32, #tpu.memory_space<vmem>>) target_semaphore(%arg23 : memref<!tpu.dma_semaphore, #tpu.memory_space<semaphore_mem>>)
    %add3A_146 = arith.constant 30720 : i32
    %add3A_147 = arith.addi %add3A_146, %mul3A_121 : i32
    %dma_start3A_148 = arith.constant 1920 : i32
    %dma_start3A_149 = tpu.memref_slice %arg15[%dma_start3A_148] : memref<10240xf32, #tpu.memory_space<vmem>> -> memref<640xf32, #tpu.memory_space<vmem>>
    %dma_start3A_150 = tpu.memref_slice %arg22[%add3A_147] : memref<163840xf32, #tpu.memory_space<vmem_shared>> -> memref<640xf32, #tpu.memory_space<vmem_shared>>
    %dma_start3A_151 = arith.constant 1920 : i32
    %dma_start3A_152 = tpu.memref_slice %arg15[%dma_start3A_151] : memref<10240xf32, #tpu.memory_space<vmem>> -> memref<640xf32, #tpu.memory_space<vmem>>
    %dma_start3A_153 = tpu.memref_slice %arg22[%add3A_147] : memref<163840xf32, #tpu.memory_space<vmem_shared>> -> memref<640xf32, #tpu.memory_space<vmem_shared>>
    tpu.enqueue_dma source(%dma_start3A_153 : memref<640xf32, #tpu.memory_space<vmem_shared>>) target(%dma_start3A_152 : memref<640xf32, #tpu.memory_space<vmem>>) target_semaphore(%arg23 : memref<!tpu.dma_semaphore, #tpu.memory_space<semaphore_mem>>)
    %add3A_154 = arith.constant 40960 : i32
    %add3A_155 = arith.addi %add3A_154, %mul3A_121 : i32
    %dma_start3A_156 = arith.constant 2560 : i32
    %dma_start3A_157 = tpu.memref_slice %arg15[%dma_start3A_156] : memref<10240xf32, #tpu.memory_space<vmem>> -> memref<640xf32, #tpu.memory_space<vmem>>
    %dma_start3A_158 = tpu.memref_slice %arg22[%add3A_155] : memref<163840xf32, #tpu.memory_space<vmem_shared>> -> memref<640xf32, #tpu.memory_space<vmem_shared>>
    %dma_start3A_159 = arith.constant 2560 : i32
    %dma_start3A_160 = tpu.memref_slice %arg15[%dma_start3A_159] : memref<10240xf32, #tpu.memory_space<vmem>> -> memref<640xf32, #tpu.memory_space<vmem>>
    %dma_start3A_161 = tpu.memref_slice %arg22[%add3A_155] : memref<163840xf32, #tpu.memory_space<vmem_shared>> -> memref<640xf32, #tpu.memory_space<vmem_shared>>
    tpu.enqueue_dma source(%dma_start3A_161 : memref<640xf32, #tpu.memory_space<vmem_shared>>) target(%dma_start3A_160 : memref<640xf32, #tpu.memory_space<vmem>>) target_semaphore(%arg23 : memref<!tpu.dma_semaphore, #tpu.memory_space<semaphore_mem>>)
    %add3A_162 = arith.constant 51200 : i32
    %add3A_163 = arith.addi %add3A_162, %mul3A_121 : i32
    %dma_start3A_164 = arith.constant 3200 : i32
    %dma_start3A_165 = tpu.memref_slice %arg15[%dma_start3A_164] : memref<10240xf32, #tpu.memory_space<vmem>> -> memref<640xf32, #tpu.memory_space<vmem>>
    %dma_start3A_166 = tpu.memref_slice %arg22[%add3A_163] : memref<163840xf32, #tpu.memory_space<vmem_shared>> -> memref<640xf32, #tpu.memory_space<vmem_shared>>
    %dma_start3A_167 = arith.constant 3200 : i32
    %dma_start3A_168 = tpu.memref_slice %arg15[%dma_start3A_167] : memref<10240xf32, #tpu.memory_space<vmem>> -> memref<640xf32, #tpu.memory_space<vmem>>
    %dma_start3A_169 = tpu.memref_slice %arg22[%add3A_163] : memref<163840xf32, #tpu.memory_space<vmem_shared>> -> memref<640xf32, #tpu.memory_space<vmem_shared>>
    tpu.enqueue_dma source(%dma_start3A_169 : memref<640xf32, #tpu.memory_space<vmem_shared>>) target(%dma_start3A_168 : memref<640xf32, #tpu.memory_space<vmem>>) target_semaphore(%arg23 : memref<!tpu.dma_semaphore, #tpu.memory_space<semaphore_mem>>)
    %add3A_170 = arith.constant 61440 : i32
    %add3A_171 = arith.addi %add3A_170, %mul3A_121 : i32
    %dma_start3A_172 = arith.constant 3840 : i32
    %dma_start3A_173 = tpu.memref_slice %arg15[%dma_start3A_172] : memref<10240xf32, #tpu.memory_space<vmem>> -> memref<640xf32, #tpu.memory_space<vmem>>
    %dma_start3A_174 = tpu.memref_slice %arg22[%add3A_171] : memref<163840xf32, #tpu.memory_space<vmem_shared>> -> memref<640xf32, #tpu.memory_space<vmem_shared>>
    %dma_start3A_175 = arith.constant 3840 : i32
    %dma_start3A_176 = tpu.memref_slice %arg15[%dma_start3A_175] : memref<10240xf32, #tpu.memory_space<vmem>> -> memref<640xf32, #tpu.memory_space<vmem>>
    %dma_start3A_177 = tpu.memref_slice %arg22[%add3A_171] : memref<163840xf32, #tpu.memory_space<vmem_shared>> -> memref<640xf32, #tpu.memory_space<vmem_shared>>
    tpu.enqueue_dma source(%dma_start3A_177 : memref<640xf32, #tpu.memory_space<vmem_shared>>) target(%dma_start3A_176 : memref<640xf32, #tpu.memory_space<vmem>>) target_semaphore(%arg23 : memref<!tpu.dma_semaphore, #tpu.memory_space<semaphore_mem>>)
    %add3A_178 = arith.constant 71680 : i32
    %add3A_179 = arith.addi %add3A_178, %mul3A_121 : i32
    %dma_start3A_180 = arith.constant 4480 : i32
    %dma_start3A_181 = tpu.memref_slice %arg15[%dma_start3A_180] : memref<10240xf32, #tpu.memory_space<vmem>> -> memref<640xf32, #tpu.memory_space<vmem>>
    %dma_start3A_182 = tpu.memref_slice %arg22[%add3A_179] : memref<163840xf32, #tpu.memory_space<vmem_shared>> -> memref<640xf32, #tpu.memory_space<vmem_shared>>
    %dma_start3A_183 = arith.constant 4480 : i32
    %dma_start3A_184 = tpu.memref_slice %arg15[%dma_start3A_183] : memref<10240xf32, #tpu.memory_space<vmem>> -> memref<640xf32, #tpu.memory_space<vmem>>
    %dma_start3A_185 = tpu.memref_slice %arg22[%add3A_179] : memref<163840xf32, #tpu.memory_space<vmem_shared>> -> memref<640xf32, #tpu.memory_space<vmem_shared>>
    tpu.enqueue_dma source(%dma_start3A_185 : memref<640xf32, #tpu.memory_space<vmem_shared>>) target(%dma_start3A_184 : memref<640xf32, #tpu.memory_space<vmem>>) target_semaphore(%arg23 : memref<!tpu.dma_semaphore, #tpu.memory_space<semaphore_mem>>)
    %add3A_186 = arith.constant 81920 : i32
    %add3A_187 = arith.addi %add3A_186, %mul3A_121 : i32
    %dma_start3A_188 = arith.constant 5120 : i32
    %dma_start3A_189 = tpu.memref_slice %arg15[%dma_start3A_188] : memref<10240xf32, #tpu.memory_space<vmem>> -> memref<640xf32, #tpu.memory_space<vmem>>
    %dma_start3A_190 = tpu.memref_slice %arg22[%add3A_187] : memref<163840xf32, #tpu.memory_space<vmem_shared>> -> memref<640xf32, #tpu.memory_space<vmem_shared>>
    %dma_start3A_191 = arith.constant 5120 : i32
    %dma_start3A_192 = tpu.memref_slice %arg15[%dma_start3A_191] : memref<10240xf32, #tpu.memory_space<vmem>> -> memref<640xf32, #tpu.memory_space<vmem>>
    %dma_start3A_193 = tpu.memref_slice %arg22[%add3A_187] : memref<163840xf32, #tpu.memory_space<vmem_shared>> -> memref<640xf32, #tpu.memory_space<vmem_shared>>
    tpu.enqueue_dma source(%dma_start3A_193 : memref<640xf32, #tpu.memory_space<vmem_shared>>) target(%dma_start3A_192 : memref<640xf32, #tpu.memory_space<vmem>>) target_semaphore(%arg23 : memref<!tpu.dma_semaphore, #tpu.memory_space<semaphore_mem>>)
    %add3A_194 = arith.constant 92160 : i32
    %add3A_195 = arith.addi %add3A_194, %mul3A_121 : i32
    %dma_start3A_196 = arith.constant 5760 : i32
    %dma_start3A_197 = tpu.memref_slice %arg15[%dma_start3A_196] : memref<10240xf32, #tpu.memory_space<vmem>> -> memref<640xf32, #tpu.memory_space<vmem>>
    %dma_start3A_198 = tpu.memref_slice %arg22[%add3A_195] : memref<163840xf32, #tpu.memory_space<vmem_shared>> -> memref<640xf32, #tpu.memory_space<vmem_shared>>
    %dma_start3A_199 = arith.constant 5760 : i32
    %dma_start3A_200 = tpu.memref_slice %arg15[%dma_start3A_199] : memref<10240xf32, #tpu.memory_space<vmem>> -> memref<640xf32, #tpu.memory_space<vmem>>
    %dma_start3A_201 = tpu.memref_slice %arg22[%add3A_195] : memref<163840xf32, #tpu.memory_space<vmem_shared>> -> memref<640xf32, #tpu.memory_space<vmem_shared>>
    tpu.enqueue_dma source(%dma_start3A_201 : memref<640xf32, #tpu.memory_space<vmem_shared>>) target(%dma_start3A_200 : memref<640xf32, #tpu.memory_space<vmem>>) target_semaphore(%arg23 : memref<!tpu.dma_semaphore, #tpu.memory_space<semaphore_mem>>)
    %add3A_202 = arith.constant 102400 : i32
    %add3A_203 = arith.addi %add3A_202, %mul3A_121 : i32
    %dma_start3A_204 = arith.constant 6400 : i32
    %dma_start3A_205 = tpu.memref_slice %arg15[%dma_start3A_204] : memref<10240xf32, #tpu.memory_space<vmem>> -> memref<640xf32, #tpu.memory_space<vmem>>
    %dma_start3A_206 = tpu.memref_slice %arg22[%add3A_203] : memref<163840xf32, #tpu.memory_space<vmem_shared>> -> memref<640xf32, #tpu.memory_space<vmem_shared>>
    %dma_start3A_207 = arith.constant 6400 : i32
    %dma_start3A_208 = tpu.memref_slice %arg15[%dma_start3A_207] : memref<10240xf32, #tpu.memory_space<vmem>> -> memref<640xf32, #tpu.memory_space<vmem>>
    %dma_start3A_209 = tpu.memref_slice %arg22[%add3A_203] : memref<163840xf32, #tpu.memory_space<vmem_shared>> -> memref<640xf32, #tpu.memory_space<vmem_shared>>
    tpu.enqueue_dma source(%dma_start3A_209 : memref<640xf32, #tpu.memory_space<vmem_shared>>) target(%dma_start3A_208 : memref<640xf32, #tpu.memory_space<vmem>>) target_semaphore(%arg23 : memref<!tpu.dma_semaphore, #tpu.memory_space<semaphore_mem>>)
    %add3A_210 = arith.constant 112640 : i32
    %add3A_211 = arith.addi %add3A_210, %mul3A_121 : i32
    %dma_start3A_212 = arith.constant 7040 : i32
    %dma_start3A_213 = tpu.memref_slice %arg15[%dma_start3A_212] : memref<10240xf32, #tpu.memory_space<vmem>> -> memref<640xf32, #tpu.memory_space<vmem>>
    %dma_start3A_214 = tpu.memref_slice %arg22[%add3A_211] : memref<163840xf32, #tpu.memory_space<vmem_shared>> -> memref<640xf32, #tpu.memory_space<vmem_shared>>
    %dma_start3A_215 = arith.constant 7040 : i32
    %dma_start3A_216 = tpu.memref_slice %arg15[%dma_start3A_215] : memref<10240xf32, #tpu.memory_space<vmem>> -> memref<640xf32, #tpu.memory_space<vmem>>
    %dma_start3A_217 = tpu.memref_slice %arg22[%add3A_211] : memref<163840xf32, #tpu.memory_space<vmem_shared>> -> memref<640xf32, #tpu.memory_space<vmem_shared>>
    tpu.enqueue_dma source(%dma_start3A_217 : memref<640xf32, #tpu.memory_space<vmem_shared>>) target(%dma_start3A_216 : memref<640xf32, #tpu.memory_space<vmem>>) target_semaphore(%arg23 : memref<!tpu.dma_semaphore, #tpu.memory_space<semaphore_mem>>)
    %add3A_218 = arith.constant 122880 : i32
    %add3A_219 = arith.addi %add3A_218, %mul3A_121 : i32
    %dma_start3A_220 = arith.constant 7680 : i32
    %dma_start3A_221 = tpu.memref_slice %arg15[%dma_start3A_220] : memref<10240xf32, #tpu.memory_space<vmem>> -> memref<640xf32, #tpu.memory_space<vmem>>
    %dma_start3A_222 = tpu.memref_slice %arg22[%add3A_219] : memref<163840xf32, #tpu.memory_space<vmem_shared>> -> memref<640xf32, #tpu.memory_space<vmem_shared>>
    %dma_start3A_223 = arith.constant 7680 : i32
    %dma_start3A_224 = tpu.memref_slice %arg15[%dma_start3A_223] : memref<10240xf32, #tpu.memory_space<vmem>> -> memref<640xf32, #tpu.memory_space<vmem>>
    %dma_start3A_225 = tpu.memref_slice %arg22[%add3A_219] : memref<163840xf32, #tpu.memory_space<vmem_shared>> -> memref<640xf32, #tpu.memory_space<vmem_shared>>
    tpu.enqueue_dma source(%dma_start3A_225 : memref<640xf32, #tpu.memory_space<vmem_shared>>) target(%dma_start3A_224 : memref<640xf32, #tpu.memory_space<vmem>>) target_semaphore(%arg23 : memref<!tpu.dma_semaphore, #tpu.memory_space<semaphore_mem>>)
    %add3A_226 = arith.constant 133120 : i32
    %add3A_227 = arith.addi %add3A_226, %mul3A_121 : i32
    %dma_start3A_228 = arith.constant 8320 : i32
    %dma_start3A_229 = tpu.memref_slice %arg15[%dma_start3A_228] : memref<10240xf32, #tpu.memory_space<vmem>> -> memref<640xf32, #tpu.memory_space<vmem>>
    %dma_start3A_230 = tpu.memref_slice %arg22[%add3A_227] : memref<163840xf32, #tpu.memory_space<vmem_shared>> -> memref<640xf32, #tpu.memory_space<vmem_shared>>
    %dma_start3A_231 = arith.constant 8320 : i32
    %dma_start3A_232 = tpu.memref_slice %arg15[%dma_start3A_231] : memref<10240xf32, #tpu.memory_space<vmem>> -> memref<640xf32, #tpu.memory_space<vmem>>
    %dma_start3A_233 = tpu.memref_slice %arg22[%add3A_227] : memref<163840xf32, #tpu.memory_space<vmem_shared>> -> memref<640xf32, #tpu.memory_space<vmem_shared>>
    tpu.enqueue_dma source(%dma_start3A_233 : memref<640xf32, #tpu.memory_space<vmem_shared>>) target(%dma_start3A_232 : memref<640xf32, #tpu.memory_space<vmem>>) target_semaphore(%arg23 : memref<!tpu.dma_semaphore, #tpu.memory_space<semaphore_mem>>)
    %add3A_234 = arith.constant 143360 : i32
    %add3A_235 = arith.addi %add3A_234, %mul3A_121 : i32
    %dma_start3A_236 = arith.constant 8960 : i32
    %dma_start3A_237 = tpu.memref_slice %arg15[%dma_start3A_236] : memref<10240xf32, #tpu.memory_space<vmem>> -> memref<640xf32, #tpu.memory_space<vmem>>
    %dma_start3A_238 = tpu.memref_slice %arg22[%add3A_235] : memref<163840xf32, #tpu.memory_space<vmem_shared>> -> memref<640xf32, #tpu.memory_space<vmem_shared>>
    %dma_start3A_239 = arith.constant 8960 : i32
    %dma_start3A_240 = tpu.memref_slice %arg15[%dma_start3A_239] : memref<10240xf32, #tpu.memory_space<vmem>> -> memref<640xf32, #tpu.memory_space<vmem>>
    %dma_start3A_241 = tpu.memref_slice %arg22[%add3A_235] : memref<163840xf32, #tpu.memory_space<vmem_shared>> -> memref<640xf32, #tpu.memory_space<vmem_shared>>
    tpu.enqueue_dma source(%dma_start3A_241 : memref<640xf32, #tpu.memory_space<vmem_shared>>) target(%dma_start3A_240 : memref<640xf32, #tpu.memory_space<vmem>>) target_semaphore(%arg23 : memref<!tpu.dma_semaphore, #tpu.memory_space<semaphore_mem>>)
    %add3A_242 = arith.constant 153600 : i32
    %add3A_243 = arith.addi %add3A_242, %mul3A_121 : i32
    %dma_start3A_244 = arith.constant 9600 : i32
    %dma_start3A_245 = tpu.memref_slice %arg15[%dma_start3A_244] : memref<10240xf32, #tpu.memory_space<vmem>> -> memref<640xf32, #tpu.memory_space<vmem>>
    %dma_start3A_246 = tpu.memref_slice %arg22[%add3A_243] : memref<163840xf32, #tpu.memory_space<vmem_shared>> -> memref<640xf32, #tpu.memory_space<vmem_shared>>
    %dma_start3A_247 = arith.constant 9600 : i32
    %dma_start3A_248 = tpu.memref_slice %arg15[%dma_start3A_247] : memref<10240xf32, #tpu.memory_space<vmem>> -> memref<640xf32, #tpu.memory_space<vmem>>
    %dma_start3A_249 = tpu.memref_slice %arg22[%add3A_243] : memref<163840xf32, #tpu.memory_space<vmem_shared>> -> memref<640xf32, #tpu.memory_space<vmem_shared>>
    tpu.enqueue_dma source(%dma_start3A_249 : memref<640xf32, #tpu.memory_space<vmem_shared>>) target(%dma_start3A_248 : memref<640xf32, #tpu.memory_space<vmem>>) target_semaphore(%arg23 : memref<!tpu.dma_semaphore, #tpu.memory_space<semaphore_mem>>)
    %dma_wait3A_250 = arith.constant 0 : i32
    %dma_wait3A_251 = tpu.memref_slice %arg15[%dma_wait3A_250] : memref<10240xf32, #tpu.memory_space<vmem>> -> memref<640xf32, #tpu.memory_space<vmem>>
    %dma_wait3A_252 = tpu.memref_slice %arg22[%add3A_123] : memref<163840xf32, #tpu.memory_space<vmem_shared>> -> memref<640xf32, #tpu.memory_space<vmem_shared>>
    %dma_wait3A_253 = arith.constant 0 : i32
    %dma_wait3A_254 = tpu.memref_slice %arg15[%dma_wait3A_253] : memref<10240xf32, #tpu.memory_space<vmem>> -> memref<640xf32, #tpu.memory_space<vmem>>
    %dma_wait3A_255 = tpu.memref_slice %arg22[%add3A_123] : memref<163840xf32, #tpu.memory_space<vmem_shared>> -> memref<640xf32, #tpu.memory_space<vmem_shared>>
    tpu.wait_dma2 semaphore(%arg23 : memref<!tpu.dma_semaphore, #tpu.memory_space<semaphore_mem>>) src(%dma_wait3A_255 : memref<640xf32, #tpu.memory_space<vmem_shared>>) dst(%dma_wait3A_254 : memref<640xf32, #tpu.memory_space<vmem>>)
    %dma_wait3A_256 = arith.constant 640 : i32
    %dma_wait3A_257 = tpu.memref_slice %arg15[%dma_wait3A_256] : memref<10240xf32, #tpu.memory_space<vmem>> -> memref<640xf32, #tpu.memory_space<vmem>>
    %dma_wait3A_258 = tpu.memref_slice %arg22[%add3A_131] : memref<163840xf32, #tpu.memory_space<vmem_shared>> -> memref<640xf32, #tpu.memory_space<vmem_shared>>
    %dma_wait3A_259 = arith.constant 640 : i32
    %dma_wait3A_260 = tpu.memref_slice %arg15[%dma_wait3A_259] : memref<10240xf32, #tpu.memory_space<vmem>> -> memref<640xf32, #tpu.memory_space<vmem>>
    %dma_wait3A_261 = tpu.memref_slice %arg22[%add3A_131] : memref<163840xf32, #tpu.memory_space<vmem_shared>> -> memref<640xf32, #tpu.memory_space<vmem_shared>>
    tpu.wait_dma2 semaphore(%arg23 : memref<!tpu.dma_semaphore, #tpu.memory_space<semaphore_mem>>) src(%dma_wait3A_261 : memref<640xf32, #tpu.memory_space<vmem_shared>>) dst(%dma_wait3A_260 : memref<640xf32, #tpu.memory_space<vmem>>)
    %dma_wait3A_262 = arith.constant 1280 : i32
    %dma_wait3A_263 = tpu.memref_slice %arg15[%dma_wait3A_262] : memref<10240xf32, #tpu.memory_space<vmem>> -> memref<640xf32, #tpu.memory_space<vmem>>
    %dma_wait3A_264 = tpu.memref_slice %arg22[%add3A_139] : memref<163840xf32, #tpu.memory_space<vmem_shared>> -> memref<640xf32, #tpu.memory_space<vmem_shared>>
    %dma_wait3A_265 = arith.constant 1280 : i32
    %dma_wait3A_266 = tpu.memref_slice %arg15[%dma_wait3A_265] : memref<10240xf32, #tpu.memory_space<vmem>> -> memref<640xf32, #tpu.memory_space<vmem>>
    %dma_wait3A_267 = tpu.memref_slice %arg22[%add3A_139] : memref<163840xf32, #tpu.memory_space<vmem_shared>> -> memref<640xf32, #tpu.memory_space<vmem_shared>>
    tpu.wait_dma2 semaphore(%arg23 : memref<!tpu.dma_semaphore, #tpu.memory_space<semaphore_mem>>) src(%dma_wait3A_267 : memref<640xf32, #tpu.memory_space<vmem_shared>>) dst(%dma_wait3A_266 : memref<640xf32, #tpu.memory_space<vmem>>)
    %dma_wait3A_268 = arith.constant 1920 : i32
    %dma_wait3A_269 = tpu.memref_slice %arg15[%dma_wait3A_268] : memref<10240xf32, #tpu.memory_space<vmem>> -> memref<640xf32, #tpu.memory_space<vmem>>
    %dma_wait3A_270 = tpu.memref_slice %arg22[%add3A_147] : memref<163840xf32, #tpu.memory_space<vmem_shared>> -> memref<640xf32, #tpu.memory_space<vmem_shared>>
    %dma_wait3A_271 = arith.constant 1920 : i32
    %dma_wait3A_272 = tpu.memref_slice %arg15[%dma_wait3A_271] : memref<10240xf32, #tpu.memory_space<vmem>> -> memref<640xf32, #tpu.memory_space<vmem>>
    %dma_wait3A_273 = tpu.memref_slice %arg22[%add3A_147] : memref<163840xf32, #tpu.memory_space<vmem_shared>> -> memref<640xf32, #tpu.memory_space<vmem_shared>>
    tpu.wait_dma2 semaphore(%arg23 : memref<!tpu.dma_semaphore, #tpu.memory_space<semaphore_mem>>) src(%dma_wait3A_273 : memref<640xf32, #tpu.memory_space<vmem_shared>>) dst(%dma_wait3A_272 : memref<640xf32, #tpu.memory_space<vmem>>)
    %dma_wait3A_274 = arith.constant 2560 : i32
    %dma_wait3A_275 = tpu.memref_slice %arg15[%dma_wait3A_274] : memref<10240xf32, #tpu.memory_space<vmem>> -> memref<640xf32, #tpu.memory_space<vmem>>
    %dma_wait3A_276 = tpu.memref_slice %arg22[%add3A_155] : memref<163840xf32, #tpu.memory_space<vmem_shared>> -> memref<640xf32, #tpu.memory_space<vmem_shared>>
    %dma_wait3A_277 = arith.constant 2560 : i32
    %dma_wait3A_278 = tpu.memref_slice %arg15[%dma_wait3A_277] : memref<10240xf32, #tpu.memory_space<vmem>> -> memref<640xf32, #tpu.memory_space<vmem>>
    %dma_wait3A_279 = tpu.memref_slice %arg22[%add3A_155] : memref<163840xf32, #tpu.memory_space<vmem_shared>> -> memref<640xf32, #tpu.memory_space<vmem_shared>>
    tpu.wait_dma2 semaphore(%arg23 : memref<!tpu.dma_semaphore, #tpu.memory_space<semaphore_mem>>) src(%dma_wait3A_279 : memref<640xf32, #tpu.memory_space<vmem_shared>>) dst(%dma_wait3A_278 : memref<640xf32, #tpu.memory_space<vmem>>)
    %dma_wait3A_280 = arith.constant 3200 : i32
    %dma_wait3A_281 = tpu.memref_slice %arg15[%dma_wait3A_280] : memref<10240xf32, #tpu.memory_space<vmem>> -> memref<640xf32, #tpu.memory_space<vmem>>
    %dma_wait3A_282 = tpu.memref_slice %arg22[%add3A_163] : memref<163840xf32, #tpu.memory_space<vmem_shared>> -> memref<640xf32, #tpu.memory_space<vmem_shared>>
    %dma_wait3A_283 = arith.constant 3200 : i32
    %dma_wait3A_284 = tpu.memref_slice %arg15[%dma_wait3A_283] : memref<10240xf32, #tpu.memory_space<vmem>> -> memref<640xf32, #tpu.memory_space<vmem>>
    %dma_wait3A_285 = tpu.memref_slice %arg22[%add3A_163] : memref<163840xf32, #tpu.memory_space<vmem_shared>> -> memref<640xf32, #tpu.memory_space<vmem_shared>>
    tpu.wait_dma2 semaphore(%arg23 : memref<!tpu.dma_semaphore, #tpu.memory_space<semaphore_mem>>) src(%dma_wait3A_285 : memref<640xf32, #tpu.memory_space<vmem_shared>>) dst(%dma_wait3A_284 : memref<640xf32, #tpu.memory_space<vmem>>)
    %dma_wait3A_286 = arith.constant 3840 : i32
    %dma_wait3A_287 = tpu.memref_slice %arg15[%dma_wait3A_286] : memref<10240xf32, #tpu.memory_space<vmem>> -> memref<640xf32, #tpu.memory_space<vmem>>
    %dma_wait3A_288 = tpu.memref_slice %arg22[%add3A_171] : memref<163840xf32, #tpu.memory_space<vmem_shared>> -> memref<640xf32, #tpu.memory_space<vmem_shared>>
    %dma_wait3A_289 = arith.constant 3840 : i32
    %dma_wait3A_290 = tpu.memref_slice %arg15[%dma_wait3A_289] : memref<10240xf32, #tpu.memory_space<vmem>> -> memref<640xf32, #tpu.memory_space<vmem>>
    %dma_wait3A_291 = tpu.memref_slice %arg22[%add3A_171] : memref<163840xf32, #tpu.memory_space<vmem_shared>> -> memref<640xf32, #tpu.memory_space<vmem_shared>>
    tpu.wait_dma2 semaphore(%arg23 : memref<!tpu.dma_semaphore, #tpu.memory_space<semaphore_mem>>) src(%dma_wait3A_291 : memref<640xf32, #tpu.memory_space<vmem_shared>>) dst(%dma_wait3A_290 : memref<640xf32, #tpu.memory_space<vmem>>)
    %dma_wait3A_292 = arith.constant 4480 : i32
    %dma_wait3A_293 = tpu.memref_slice %arg15[%dma_wait3A_292] : memref<10240xf32, #tpu.memory_space<vmem>> -> memref<640xf32, #tpu.memory_space<vmem>>
    %dma_wait3A_294 = tpu.memref_slice %arg22[%add3A_179] : memref<163840xf32, #tpu.memory_space<vmem_shared>> -> memref<640xf32, #tpu.memory_space<vmem_shared>>
    %dma_wait3A_295 = arith.constant 4480 : i32
    %dma_wait3A_296 = tpu.memref_slice %arg15[%dma_wait3A_295] : memref<10240xf32, #tpu.memory_space<vmem>> -> memref<640xf32, #tpu.memory_space<vmem>>
    %dma_wait3A_297 = tpu.memref_slice %arg22[%add3A_179] : memref<163840xf32, #tpu.memory_space<vmem_shared>> -> memref<640xf32, #tpu.memory_space<vmem_shared>>
    tpu.wait_dma2 semaphore(%arg23 : memref<!tpu.dma_semaphore, #tpu.memory_space<semaphore_mem>>) src(%dma_wait3A_297 : memref<640xf32, #tpu.memory_space<vmem_shared>>) dst(%dma_wait3A_296 : memref<640xf32, #tpu.memory_space<vmem>>)
    %dma_wait3A_298 = arith.constant 5120 : i32
    %dma_wait3A_299 = tpu.memref_slice %arg15[%dma_wait3A_298] : memref<10240xf32, #tpu.memory_space<vmem>> -> memref<640xf32, #tpu.memory_space<vmem>>
    %dma_wait3A_300 = tpu.memref_slice %arg22[%add3A_187] : memref<163840xf32, #tpu.memory_space<vmem_shared>> -> memref<640xf32, #tpu.memory_space<vmem_shared>>
    %dma_wait3A_301 = arith.constant 5120 : i32
    %dma_wait3A_302 = tpu.memref_slice %arg15[%dma_wait3A_301] : memref<10240xf32, #tpu.memory_space<vmem>> -> memref<640xf32, #tpu.memory_space<vmem>>
    %dma_wait3A_303 = tpu.memref_slice %arg22[%add3A_187] : memref<163840xf32, #tpu.memory_space<vmem_shared>> -> memref<640xf32, #tpu.memory_space<vmem_shared>>
    tpu.wait_dma2 semaphore(%arg23 : memref<!tpu.dma_semaphore, #tpu.memory_space<semaphore_mem>>) src(%dma_wait3A_303 : memref<640xf32, #tpu.memory_space<vmem_shared>>) dst(%dma_wait3A_302 : memref<640xf32, #tpu.memory_space<vmem>>)
    %dma_wait3A_304 = arith.constant 5760 : i32
    %dma_wait3A_305 = tpu.memref_slice %arg15[%dma_wait3A_304] : memref<10240xf32, #tpu.memory_space<vmem>> -> memref<640xf32, #tpu.memory_space<vmem>>
    %dma_wait3A_306 = tpu.memref_slice %arg22[%add3A_195] : memref<163840xf32, #tpu.memory_space<vmem_shared>> -> memref<640xf32, #tpu.memory_space<vmem_shared>>
    %dma_wait3A_307 = arith.constant 5760 : i32
    %dma_wait3A_308 = tpu.memref_slice %arg15[%dma_wait3A_307] : memref<10240xf32, #tpu.memory_space<vmem>> -> memref<640xf32, #tpu.memory_space<vmem>>
    %dma_wait3A_309 = tpu.memref_slice %arg22[%add3A_195] : memref<163840xf32, #tpu.memory_space<vmem_shared>> -> memref<640xf32, #tpu.memory_space<vmem_shared>>
    tpu.wait_dma2 semaphore(%arg23 : memref<!tpu.dma_semaphore, #tpu.memory_space<semaphore_mem>>) src(%dma_wait3A_309 : memref<640xf32, #tpu.memory_space<vmem_shared>>) dst(%dma_wait3A_308 : memref<640xf32, #tpu.memory_space<vmem>>)
    %dma_wait3A_310 = arith.constant 6400 : i32
    %dma_wait3A_311 = tpu.memref_slice %arg15[%dma_wait3A_310] : memref<10240xf32, #tpu.memory_space<vmem>> -> memref<640xf32, #tpu.memory_space<vmem>>
    %dma_wait3A_312 = tpu.memref_slice %arg22[%add3A_203] : memref<163840xf32, #tpu.memory_space<vmem_shared>> -> memref<640xf32, #tpu.memory_space<vmem_shared>>
    %dma_wait3A_313 = arith.constant 6400 : i32
    %dma_wait3A_314 = tpu.memref_slice %arg15[%dma_wait3A_313] : memref<10240xf32, #tpu.memory_space<vmem>> -> memref<640xf32, #tpu.memory_space<vmem>>
    %dma_wait3A_315 = tpu.memref_slice %arg22[%add3A_203] : memref<163840xf32, #tpu.memory_space<vmem_shared>> -> memref<640xf32, #tpu.memory_space<vmem_shared>>
    tpu.wait_dma2 semaphore(%arg23 : memref<!tpu.dma_semaphore, #tpu.memory_space<semaphore_mem>>) src(%dma_wait3A_315 : memref<640xf32, #tpu.memory_space<vmem_shared>>) dst(%dma_wait3A_314 : memref<640xf32, #tpu.memory_space<vmem>>)
    %dma_wait3A_316 = arith.constant 7040 : i32
    %dma_wait3A_317 = tpu.memref_slice %arg15[%dma_wait3A_316] : memref<10240xf32, #tpu.memory_space<vmem>> -> memref<640xf32, #tpu.memory_space<vmem>>
    %dma_wait3A_318 = tpu.memref_slice %arg22[%add3A_211] : memref<163840xf32, #tpu.memory_space<vmem_shared>> -> memref<640xf32, #tpu.memory_space<vmem_shared>>
    %dma_wait3A_319 = arith.constant 7040 : i32
    %dma_wait3A_320 = tpu.memref_slice %arg15[%dma_wait3A_319] : memref<10240xf32, #tpu.memory_space<vmem>> -> memref<640xf32, #tpu.memory_space<vmem>>
    %dma_wait3A_321 = tpu.memref_slice %arg22[%add3A_211] : memref<163840xf32, #tpu.memory_space<vmem_shared>> -> memref<640xf32, #tpu.memory_space<vmem_shared>>
    tpu.wait_dma2 semaphore(%arg23 : memref<!tpu.dma_semaphore, #tpu.memory_space<semaphore_mem>>) src(%dma_wait3A_321 : memref<640xf32, #tpu.memory_space<vmem_shared>>) dst(%dma_wait3A_320 : memref<640xf32, #tpu.memory_space<vmem>>)
    %dma_wait3A_322 = arith.constant 7680 : i32
    %dma_wait3A_323 = tpu.memref_slice %arg15[%dma_wait3A_322] : memref<10240xf32, #tpu.memory_space<vmem>> -> memref<640xf32, #tpu.memory_space<vmem>>
    %dma_wait3A_324 = tpu.memref_slice %arg22[%add3A_219] : memref<163840xf32, #tpu.memory_space<vmem_shared>> -> memref<640xf32, #tpu.memory_space<vmem_shared>>
    %dma_wait3A_325 = arith.constant 7680 : i32
    %dma_wait3A_326 = tpu.memref_slice %arg15[%dma_wait3A_325] : memref<10240xf32, #tpu.memory_space<vmem>> -> memref<640xf32, #tpu.memory_space<vmem>>
    %dma_wait3A_327 = tpu.memref_slice %arg22[%add3A_219] : memref<163840xf32, #tpu.memory_space<vmem_shared>> -> memref<640xf32, #tpu.memory_space<vmem_shared>>
    tpu.wait_dma2 semaphore(%arg23 : memref<!tpu.dma_semaphore, #tpu.memory_space<semaphore_mem>>) src(%dma_wait3A_327 : memref<640xf32, #tpu.memory_space<vmem_shared>>) dst(%dma_wait3A_326 : memref<640xf32, #tpu.memory_space<vmem>>)
    %dma_wait3A_328 = arith.constant 8320 : i32
    %dma_wait3A_329 = tpu.memref_slice %arg15[%dma_wait3A_328] : memref<10240xf32, #tpu.memory_space<vmem>> -> memref<640xf32, #tpu.memory_space<vmem>>
    %dma_wait3A_330 = tpu.memref_slice %arg22[%add3A_227] : memref<163840xf32, #tpu.memory_space<vmem_shared>> -> memref<640xf32, #tpu.memory_space<vmem_shared>>
    %dma_wait3A_331 = arith.constant 8320 : i32
    %dma_wait3A_332 = tpu.memref_slice %arg15[%dma_wait3A_331] : memref<10240xf32, #tpu.memory_space<vmem>> -> memref<640xf32, #tpu.memory_space<vmem>>
    %dma_wait3A_333 = tpu.memref_slice %arg22[%add3A_227] : memref<163840xf32, #tpu.memory_space<vmem_shared>> -> memref<640xf32, #tpu.memory_space<vmem_shared>>
    tpu.wait_dma2 semaphore(%arg23 : memref<!tpu.dma_semaphore, #tpu.memory_space<semaphore_mem>>) src(%dma_wait3A_333 : memref<640xf32, #tpu.memory_space<vmem_shared>>) dst(%dma_wait3A_332 : memref<640xf32, #tpu.memory_space<vmem>>)
    %dma_wait3A_334 = arith.constant 8960 : i32
    %dma_wait3A_335 = tpu.memref_slice %arg15[%dma_wait3A_334] : memref<10240xf32, #tpu.memory_space<vmem>> -> memref<640xf32, #tpu.memory_space<vmem>>
    %dma_wait3A_336 = tpu.memref_slice %arg22[%add3A_235] : memref<163840xf32, #tpu.memory_space<vmem_shared>> -> memref<640xf32, #tpu.memory_space<vmem_shared>>
    %dma_wait3A_337 = arith.constant 8960 : i32
    %dma_wait3A_338 = tpu.memref_slice %arg15[%dma_wait3A_337] : memref<10240xf32, #tpu.memory_space<vmem>> -> memref<640xf32, #tpu.memory_space<vmem>>
    %dma_wait3A_339 = tpu.memref_slice %arg22[%add3A_235] : memref<163840xf32, #tpu.memory_space<vmem_shared>> -> memref<640xf32, #tpu.memory_space<vmem_shared>>
    tpu.wait_dma2 semaphore(%arg23 : memref<!tpu.dma_semaphore, #tpu.memory_space<semaphore_mem>>) src(%dma_wait3A_339 : memref<640xf32, #tpu.memory_space<vmem_shared>>) dst(%dma_wait3A_338 : memref<640xf32, #tpu.memory_space<vmem>>)
    %dma_wait3A_340 = arith.constant 9600 : i32
    %dma_wait3A_341 = tpu.memref_slice %arg15[%dma_wait3A_340] : memref<10240xf32, #tpu.memory_space<vmem>> -> memref<640xf32, #tpu.memory_space<vmem>>
    %dma_wait3A_342 = tpu.memref_slice %arg22[%add3A_243] : memref<163840xf32, #tpu.memory_space<vmem_shared>> -> memref<640xf32, #tpu.memory_space<vmem_shared>>
    %dma_wait3A_343 = arith.constant 9600 : i32
    %dma_wait3A_344 = tpu.memref_slice %arg15[%dma_wait3A_343] : memref<10240xf32, #tpu.memory_space<vmem>> -> memref<640xf32, #tpu.memory_space<vmem>>
    %dma_wait3A_345 = tpu.memref_slice %arg22[%add3A_243] : memref<163840xf32, #tpu.memory_space<vmem_shared>> -> memref<640xf32, #tpu.memory_space<vmem_shared>>
    tpu.wait_dma2 semaphore(%arg23 : memref<!tpu.dma_semaphore, #tpu.memory_space<semaphore_mem>>) src(%dma_wait3A_345 : memref<640xf32, #tpu.memory_space<vmem_shared>>) dst(%dma_wait3A_344 : memref<640xf32, #tpu.memory_space<vmem>>)
    %parallel_loop3A_346 = arith.constant 0 : i32
    %parallel_loop3A_347 = arith.constant 640 : i32
    %parallel_loop3A_348 = arith.constant 16 : i32
    scf.for %parallel_loop3A_366 = %parallel_loop3A_346 to %parallel_loop3A_347 step %parallel_loop3A_348  : i32 {
      %parallel_loop3A_367 = arith.index_cast %parallel_loop3A_366 : i32 to index
      %parallel_loop3A_368 = tpu.vector_load %arg15[%parallel_loop3A_367] {strides = array<i32>} : memref<10240xf32, #tpu.memory_space<vmem>>, vector<16xf32>,
      %parallel_loop3A_369 = arith.constant 640 : i32
      %parallel_loop3A_370 = arith.addi %parallel_loop3A_369, %parallel_loop3A_366 : i32
      %parallel_loop3A_371 = arith.index_cast %parallel_loop3A_370 : i32 to index
      %parallel_loop3A_372 = tpu.vector_load %arg15[%parallel_loop3A_371] {strides = array<i32>} : memref<10240xf32, #tpu.memory_space<vmem>>, vector<16xf32>,
      %parallel_loop3A_373 = arith.addf %parallel_loop3A_368, %parallel_loop3A_372 : vector<16xf32>
      %parallel_loop3A_374 = arith.constant 1280 : i32
      %parallel_loop3A_375 = arith.addi %parallel_loop3A_374, %parallel_loop3A_366 : i32
      %parallel_loop3A_376 = arith.index_cast %parallel_loop3A_375 : i32 to index
      %parallel_loop3A_377 = tpu.vector_load %arg15[%parallel_loop3A_376] {strides = array<i32>} : memref<10240xf32, #tpu.memory_space<vmem>>, vector<16xf32>,
      %parallel_loop3A_378 = arith.addf %parallel_loop3A_373, %parallel_loop3A_377 : vector<16xf32>
      %parallel_loop3A_379 = arith.constant 1920 : i32
      %parallel_loop3A_380 = arith.addi %parallel_loop3A_379, %parallel_loop3A_366 : i32
      %parallel_loop3A_381 = arith.index_cast %parallel_loop3A_380 : i32 to index
      %parallel_loop3A_382 = tpu.vector_load %arg15[%parallel_loop3A_381] {strides = array<i32>} : memref<10240xf32, #tpu.memory_space<vmem>>, vector<16xf32>,
      %parallel_loop3A_383 = arith.addf %parallel_loop3A_378, %parallel_loop3A_382 : vector<16xf32>
      %parallel_loop3A_384 = arith.constant 2560 : i32
      %parallel_loop3A_385 = arith.addi %parallel_loop3A_384, %parallel_loop3A_366 : i32
      %parallel_loop3A_386 = arith.index_cast %parallel_loop3A_385 : i32 to index
      %parallel_loop3A_387 = tpu.vector_load %arg15[%parallel_loop3A_386] {strides = array<i32>} : memref<10240xf32, #tpu.memory_space<vmem>>, vector<16xf32>,
      %parallel_loop3A_388 = arith.addf %parallel_loop3A_383, %parallel_loop3A_387 : vector<16xf32>
      %parallel_loop3A_389 = arith.constant 3200 : i32
      %parallel_loop3A_390 = arith.addi %parallel_loop3A_389, %parallel_loop3A_366 : i32
      %parallel_loop3A_391 = arith.index_cast %parallel_loop3A_390 : i32 to index
      %parallel_loop3A_392 = tpu.vector_load %arg15[%parallel_loop3A_391] {strides = array<i32>} : memref<10240xf32, #tpu.memory_space<vmem>>, vector<16xf32>,
      %parallel_loop3A_393 = arith.addf %parallel_loop3A_388, %parallel_loop3A_392 : vector<16xf32>
      %parallel_loop3A_394 = arith.constant 3840 : i32
      %parallel_loop3A_395 = arith.addi %parallel_loop3A_394, %parallel_loop3A_366 : i32
      %parallel_loop3A_396 = arith.index_cast %parallel_loop3A_395 : i32 to index
      %parallel_loop3A_397 = tpu.vector_load %arg15[%parallel_loop3A_396] {strides = array<i32>} : memref<10240xf32, #tpu.memory_space<vmem>>, vector<16xf32>,
      %parallel_loop3A_398 = arith.addf %parallel_loop3A_393, %parallel_loop3A_397 : vector<16xf32>
      %parallel_loop3A_399 = arith.constant 4480 : i32
      %parallel_loop3A_400 = arith.addi %parallel_loop3A_399, %parallel_loop3A_366 : i32
      %parallel_loop3A_401 = arith.index_cast %parallel_loop3A_400 : i32 to index
      %parallel_loop3A_402 = tpu.vector_load %arg15[%parallel_loop3A_401] {strides = array<i32>} : memref<10240xf32, #tpu.memory_space<vmem>>, vector<16xf32>,
      %parallel_loop3A_403 = arith.addf %parallel_loop3A_398, %parallel_loop3A_402 : vector<16xf32>
      %parallel_loop3A_404 = arith.constant 5120 : i32
      %parallel_loop3A_405 = arith.addi %parallel_loop3A_404, %parallel_loop3A_366 : i32
      %parallel_loop3A_406 = arith.index_cast %parallel_loop3A_405 : i32 to index
      %parallel_loop3A_407 = tpu.vector_load %arg15[%parallel_loop3A_406] {strides = array<i32>} : memref<10240xf32, #tpu.memory_space<vmem>>, vector<16xf32>,
      %parallel_loop3A_408 = arith.addf %parallel_loop3A_403, %parallel_loop3A_407 : vector<16xf32>
      %parallel_loop3A_409 = arith.constant 5760 : i32
      %parallel_loop3A_410 = arith.addi %parallel_loop3A_409, %parallel_loop3A_366 : i32
      %parallel_loop3A_411 = arith.index_cast %parallel_loop3A_410 : i32 to index
      %parallel_loop3A_412 = tpu.vector_load %arg15[%parallel_loop3A_411] {strides = array<i32>} : memref<10240xf32, #tpu.memory_space<vmem>>, vector<16xf32>,
      %parallel_loop3A_413 = arith.addf %parallel_loop3A_408, %parallel_loop3A_412 : vector<16xf32>
      %parallel_loop3A_414 = arith.constant 6400 : i32
      %parallel_loop3A_415 = arith.addi %parallel_loop3A_414, %parallel_loop3A_366 : i32
      %parallel_loop3A_416 = arith.index_cast %parallel_loop3A_415 : i32 to index
      %parallel_loop3A_417 = tpu.vector_load %arg15[%parallel_loop3A_416] {strides = array<i32>} : memref<10240xf32, #tpu.memory_space<vmem>>, vector<16xf32>,
      %parallel_loop3A_418 = arith.addf %parallel_loop3A_413, %parallel_loop3A_417 : vector<16xf32>
      %parallel_loop3A_419 = arith.constant 7040 : i32
      %parallel_loop3A_420 = arith.addi %parallel_loop3A_419, %parallel_loop3A_366 : i32
      %parallel_loop3A_421 = arith.index_cast %parallel_loop3A_420 : i32 to index
      %parallel_loop3A_422 = tpu.vector_load %arg15[%parallel_loop3A_421] {strides = array<i32>} : memref<10240xf32, #tpu.memory_space<vmem>>, vector<16xf32>,
      %parallel_loop3A_423 = arith.addf %parallel_loop3A_418, %parallel_loop3A_422 : vector<16xf32>
      %parallel_loop3A_424 = arith.constant 7680 : i32
      %parallel_loop3A_425 = arith.addi %parallel_loop3A_424, %parallel_loop3A_366 : i32
      %parallel_loop3A_426 = arith.index_cast %parallel_loop3A_425 : i32 to index
      %parallel_loop3A_427 = tpu.vector_load %arg15[%parallel_loop3A_426] {strides = array<i32>} : memref<10240xf32, #tpu.memory_space<vmem>>, vector<16xf32>,
      %parallel_loop3A_428 = arith.addf %parallel_loop3A_423, %parallel_loop3A_427 : vector<16xf32>
      %parallel_loop3A_429 = arith.constant 8320 : i32
      %parallel_loop3A_430 = arith.addi %parallel_loop3A_429, %parallel_loop3A_366 : i32
      %parallel_loop3A_431 = arith.index_cast %parallel_loop3A_430 : i32 to index
      %parallel_loop3A_432 = tpu.vector_load %arg15[%parallel_loop3A_431] {strides = array<i32>} : memref<10240xf32, #tpu.memory_space<vmem>>, vector<16xf32>,
      %parallel_loop3A_433 = arith.addf %parallel_loop3A_428, %parallel_loop3A_432 : vector<16xf32>
      %parallel_loop3A_434 = arith.constant 8960 : i32
      %parallel_loop3A_435 = arith.addi %parallel_loop3A_434, %parallel_loop3A_366 : i32
      %parallel_loop3A_436 = arith.index_cast %parallel_loop3A_435 : i32 to index
      %parallel_loop3A_437 = tpu.vector_load %arg15[%parallel_loop3A_436] {strides = array<i32>} : memref<10240xf32, #tpu.memory_space<vmem>>, vector<16xf32>,
      %parallel_loop3A_438 = arith.addf %parallel_loop3A_433, %parallel_loop3A_437 : vector<16xf32>
      %parallel_loop3A_439 = arith.constant 9600 : i32
      %parallel_loop3A_440 = arith.addi %parallel_loop3A_439, %parallel_loop3A_366 : i32
      %parallel_loop3A_441 = arith.index_cast %parallel_loop3A_440 : i32 to index
      %parallel_loop3A_442 = tpu.vector_load %arg15[%parallel_loop3A_441] {strides = array<i32>} : memref<10240xf32, #tpu.memory_space<vmem>>, vector<16xf32>,
      %parallel_loop3A_443 = arith.addf %parallel_loop3A_438, %parallel_loop3A_442 : vector<16xf32>
      %parallel_loop3A_444 = arith.index_cast %parallel_loop3A_366 : i32 to index
      %parallel_loop3A_445 = tpu.vector_load %arg16[%parallel_loop3A_444] {strides = array<i32>} : memref<640xf32, #tpu.memory_space<vmem>>, vector<16xf32>,
      tpu.vector_store %arg16[%parallel_loop3A_444], %parallel_loop3A_443 {strides = array<i32>} : memref<640xf32, #tpu.memory_space<vmem>>, vector<16xf32>,
    } {sc.loop_unroll_factor = 2 : i64, sc.parallel_access}
    %eq3A = arith.constant 15 : i32
    %eq3A_349 = arith.cmpi eq, %arg1, %eq3A : i32
    %convert_element_type3A = arith.extui %eq3A_349 : i1 to i32
    %cond3A = arith.constant 0 : i32
    %cond3A_350 = arith.cmpi ne, %convert_element_type3A, %cond3A : i32
    scf.if %cond3A_350 {
      %parallel_loop3A_366 = arith.constant 400 : i32
      %parallel_loop3A_367 = arith.constant 640 : i32
      %parallel_loop3A_368 = arith.constant 16 : i32
      scf.for %parallel_loop3A_369 = %parallel_loop3A_366 to %parallel_loop3A_367 step %parallel_loop3A_368  : i32 {
        %parallel_loop3A_370 = arith.index_cast %parallel_loop3A_369 : i32 to index
        %parallel_loop3A_371 = tpu.vector_load %arg16[%parallel_loop3A_370] {strides = array<i32>} : memref<640xf32, #tpu.memory_space<vmem>>, vector<16xf32>,
        tpu.vector_store %arg16[%parallel_loop3A_370], %broadcast_in_dim3A_38 {strides = array<i32>} : memref<640xf32, #tpu.memory_space<vmem>>, vector<16xf32>,
      } {sc.loop_unroll_factor = 1 : i64, sc.parallel_access}
    } else {
    }
    %eq3A_351 = arith.constant 0 : i32
    %eq3A_352 = arith.cmpi eq, %arg0, %eq3A_351 : i32
    %convert_element_type3A_353 = arith.extui %eq3A_352 : i1 to i32
    %cond3A_354 = arith.constant 0 : i32
    %cond3A_355 = arith.cmpi ne, %convert_element_type3A_353, %cond3A_354 : i32
    scf.if %cond3A_355 {
      "tpu.region"() ({
        %run_scoped3A = tpu.sem_alloc : memref<!tpu.dma_semaphore, #tpu.memory_space<semaphore_mem>>
        %dma_start3A_366 = tpu.memref_slice %arg5[%mul3A_121] : memref<10240xf32, #tpu.memory_space<hbm>> -> memref<640xf32, #tpu.memory_space<hbm>>
        %dma_start3A_367 = tpu.memref_slice %arg5[%mul3A_121] : memref<10240xf32, #tpu.memory_space<hbm>> -> memref<640xf32, #tpu.memory_space<hbm>>
        tpu.enqueue_dma source(%arg16 : memref<640xf32, #tpu.memory_space<vmem>>) target(%dma_start3A_367 : memref<640xf32, #tpu.memory_space<hbm>>) target_semaphore(%run_scoped3A : memref<!tpu.dma_semaphore, #tpu.memory_space<semaphore_mem>>)
        %dma_wait3A_368 = tpu.memref_slice %arg5[%mul3A_121] : memref<10240xf32, #tpu.memory_space<hbm>> -> memref<640xf32, #tpu.memory_space<hbm>>
        %dma_wait3A_369 = tpu.memref_slice %arg5[%mul3A_121] : memref<10240xf32, #tpu.memory_space<hbm>> -> memref<640xf32, #tpu.memory_space<hbm>>
        tpu.wait_dma2 semaphore(%run_scoped3A : memref<!tpu.dma_semaphore, #tpu.memory_space<semaphore_mem>>) src(%arg16 : memref<640xf32, #tpu.memory_space<vmem>>) dst(%dma_wait3A_369 : memref<640xf32, #tpu.memory_space<hbm>>)
        tpu.yield
      }) : () -> ()
    } else {
    }
    %eq3A_356 = arith.constant 1 : i32
    %eq3A_357 = arith.cmpi eq, %arg0, %eq3A_356 : i32
    %convert_element_type3A_358 = arith.extui %eq3A_357 : i1 to i32
    %cond3A_359 = arith.constant 0 : i32
    %cond3A_360 = arith.cmpi ne, %convert_element_type3A_358, %cond3A_359 : i32
    scf.if %cond3A_360 {
      "tpu.region"() ({
        %run_scoped3A = tpu.sem_alloc : memref<!tpu.dma_semaphore, #tpu.memory_space<semaphore_mem>>
        %dma_start3A_366 = tpu.memref_slice %arg6[%mul3A_121] : memref<10240xf32, #tpu.memory_space<hbm>> -> memref<640xf32, #tpu.memory_space<hbm>>
        %dma_start3A_367 = tpu.memref_slice %arg6[%mul3A_121] : memref<10240xf32, #tpu.memory_space<hbm>> -> memref<640xf32, #tpu.memory_space<hbm>>
        tpu.enqueue_dma source(%arg16 : memref<640xf32, #tpu.memory_space<vmem>>) target(%dma_start3A_367 : memref<640xf32, #tpu.memory_space<hbm>>) target_semaphore(%run_scoped3A : memref<!tpu.dma_semaphore, #tpu.memory_space<semaphore_mem>>)
        %dma_wait3A_368 = tpu.memref_slice %arg6[%mul3A_121] : memref<10240xf32, #tpu.memory_space<hbm>> -> memref<640xf32, #tpu.memory_space<hbm>>
        %dma_wait3A_369 = tpu.memref_slice %arg6[%mul3A_121] : memref<10240xf32, #tpu.memory_space<hbm>> -> memref<640xf32, #tpu.memory_space<hbm>>
        tpu.wait_dma2 semaphore(%run_scoped3A : memref<!tpu.dma_semaphore, #tpu.memory_space<semaphore_mem>>) src(%arg16 : memref<640xf32, #tpu.memory_space<vmem>>) dst(%dma_wait3A_369 : memref<640xf32, #tpu.memory_space<hbm>>)
        tpu.yield
      }) : () -> ()
    } else {
    }
    %eq3A_361 = arith.constant 0 : i32
    "tpu.trace_stop"() : () -> ()
    %eq3A_362 = arith.cmpi eq, %arg1, %eq3A_361 : i32
    %convert_element_type3A_363 = arith.extui %eq3A_362 : i1 to i32
    %cond3A_364 = arith.constant 0 : i32
    %cond3A_365 = arith.cmpi ne, %convert_element_type3A_363, %cond3A_364 : i32
    scf.if %cond3A_365 {
      "tpu.region"() ({
        %run_scoped3A = tpu.sem_alloc : memref<!tpu.dma_semaphore, #tpu.memory_space<semaphore_mem>>
        tpu.enqueue_dma source(%arg21 : memref<256xf32, #tpu.memory_space<vmem_shared>>) target(%arg14 : memref<256xf32, #tpu.memory_space<vmem>>) target_semaphore(%run_scoped3A : memref<!tpu.dma_semaphore, #tpu.memory_space<semaphore_mem>>)
        tpu.wait_dma2 semaphore(%run_scoped3A : memref<!tpu.dma_semaphore, #tpu.memory_space<semaphore_mem>>) src(%arg21 : memref<256xf32, #tpu.memory_space<vmem_shared>>) dst(%arg14 : memref<256xf32, #tpu.memory_space<vmem>>)
        tpu.yield
      }) : () -> ()
      %get3A_366 = arith.constant 0 : index
      %get3A_367 = tpu.vector_load %arg14[%get3A_366] {strides = array<i32>} : memref<256xf32, #tpu.memory_space<vmem>>, vector<16xf32>,
      %get3A_368 = arith.constant 16 : index
      %get3A_369 = tpu.vector_load %arg14[%get3A_368] {strides = array<i32>} : memref<256xf32, #tpu.memory_space<vmem>>, vector<16xf32>,
      %add3A_370 = arith.addf %get3A_367, %get3A_369 : vector<16xf32>
      %get3A_371 = arith.constant 32 : index
      %get3A_372 = tpu.vector_load %arg14[%get3A_371] {strides = array<i32>} : memref<256xf32, #tpu.memory_space<vmem>>, vector<16xf32>,
      %add3A_373 = arith.addf %add3A_370, %get3A_372 : vector<16xf32>
      %get3A_374 = arith.constant 48 : index
      %get3A_375 = tpu.vector_load %arg14[%get3A_374] {strides = array<i32>} : memref<256xf32, #tpu.memory_space<vmem>>, vector<16xf32>,
      %add3A_376 = arith.addf %add3A_373, %get3A_375 : vector<16xf32>
      %get3A_377 = arith.constant 64 : index
      %get3A_378 = tpu.vector_load %arg14[%get3A_377] {strides = array<i32>} : memref<256xf32, #tpu.memory_space<vmem>>, vector<16xf32>,
      %add3A_379 = arith.addf %add3A_376, %get3A_378 : vector<16xf32>
      %get3A_380 = arith.constant 80 : index
      %get3A_381 = tpu.vector_load %arg14[%get3A_380] {strides = array<i32>} : memref<256xf32, #tpu.memory_space<vmem>>, vector<16xf32>,
      %add3A_382 = arith.addf %add3A_379, %get3A_381 : vector<16xf32>
      %get3A_383 = arith.constant 96 : index
      %get3A_384 = tpu.vector_load %arg14[%get3A_383] {strides = array<i32>} : memref<256xf32, #tpu.memory_space<vmem>>, vector<16xf32>,
      %add3A_385 = arith.addf %add3A_382, %get3A_384 : vector<16xf32>
      %get3A_386 = arith.constant 112 : index
      %get3A_387 = tpu.vector_load %arg14[%get3A_386] {strides = array<i32>} : memref<256xf32, #tpu.memory_space<vmem>>, vector<16xf32>,
      %add3A_388 = arith.addf %add3A_385, %get3A_387 : vector<16xf32>
      %get3A_389 = arith.constant 128 : index
      %get3A_390 = tpu.vector_load %arg14[%get3A_389] {strides = array<i32>} : memref<256xf32, #tpu.memory_space<vmem>>, vector<16xf32>,
      %add3A_391 = arith.addf %add3A_388, %get3A_390 : vector<16xf32>
      %get3A_392 = arith.constant 144 : index
      %get3A_393 = tpu.vector_load %arg14[%get3A_392] {strides = array<i32>} : memref<256xf32, #tpu.memory_space<vmem>>, vector<16xf32>,
      %add3A_394 = arith.addf %add3A_391, %get3A_393 : vector<16xf32>
      %get3A_395 = arith.constant 160 : index
      %get3A_396 = tpu.vector_load %arg14[%get3A_395] {strides = array<i32>} : memref<256xf32, #tpu.memory_space<vmem>>, vector<16xf32>,
      %add3A_397 = arith.addf %add3A_394, %get3A_396 : vector<16xf32>
      %get3A_398 = arith.constant 176 : index
      %get3A_399 = tpu.vector_load %arg14[%get3A_398] {strides = array<i32>} : memref<256xf32, #tpu.memory_space<vmem>>, vector<16xf32>,
      %add3A_400 = arith.addf %add3A_397, %get3A_399 : vector<16xf32>
      %get3A_401 = arith.constant 192 : index
      %get3A_402 = tpu.vector_load %arg14[%get3A_401] {strides = array<i32>} : memref<256xf32, #tpu.memory_space<vmem>>, vector<16xf32>,
      %add3A_403 = arith.addf %add3A_400, %get3A_402 : vector<16xf32>
      %get3A_404 = arith.constant 208 : index
      %get3A_405 = tpu.vector_load %arg14[%get3A_404] {strides = array<i32>} : memref<256xf32, #tpu.memory_space<vmem>>, vector<16xf32>,
      %add3A_406 = arith.addf %add3A_403, %get3A_405 : vector<16xf32>
      %get3A_407 = arith.constant 224 : index
      %get3A_408 = tpu.vector_load %arg14[%get3A_407] {strides = array<i32>} : memref<256xf32, #tpu.memory_space<vmem>>, vector<16xf32>,
      %add3A_409 = arith.addf %add3A_406, %get3A_408 : vector<16xf32>
      %get3A_410 = arith.constant 240 : index
      %get3A_411 = tpu.vector_load %arg14[%get3A_410] {strides = array<i32>} : memref<256xf32, #tpu.memory_space<vmem>>, vector<16xf32>,
      %add3A_412 = arith.addf %add3A_409, %get3A_411 : vector<16xf32>
      %swap3A_413 = arith.constant 0 : index
      %swap3A_414 = tpu.vector_load %arg17[%swap3A_413] {strides = array<i32>} : memref<32xf32, #tpu.memory_space<vmem>>, vector<16xf32>,
      tpu.vector_store %arg17[%swap3A_413], %broadcast_in_dim3A_106 {strides = array<i32>} : memref<32xf32, #tpu.memory_space<vmem>>, vector<16xf32>,
      %swap3A_415 = arith.constant 16 : index
      %swap3A_416 = tpu.vector_load %arg17[%swap3A_415] {strides = array<i32>} : memref<32xf32, #tpu.memory_space<vmem>>, vector<16xf32>,
      tpu.vector_store %arg17[%swap3A_415], %add3A_412 {strides = array<i32>} : memref<32xf32, #tpu.memory_space<vmem>>, vector<16xf32>,
      %mul3A_417 = arith.constant 2 : i32
      %mul3A_418 = arith.muli %arg0, %mul3A_417 : i32
      %mul3A_419 = arith.constant 16 : i32
      %mul3A_420 = arith.muli %mul3A_418, %mul3A_419 : i32
      "tpu.region"() ({
        %run_scoped3A = tpu.sem_alloc : memref<!tpu.dma_semaphore, #tpu.memory_space<semaphore_mem>>
        %dma_start3A_421 = tpu.memref_slice %arg7[%mul3A_420] : memref<64xf32, #tpu.memory_space<hbm>> -> memref<32xf32, #tpu.memory_space<hbm>>
        %dma_start3A_422 = tpu.memref_slice %arg7[%mul3A_420] : memref<64xf32, #tpu.memory_space<hbm>> -> memref<32xf32, #tpu.memory_space<hbm>>
        tpu.enqueue_dma source(%arg17 : memref<32xf32, #tpu.memory_space<vmem>>) target(%dma_start3A_422 : memref<32xf32, #tpu.memory_space<hbm>>) target_semaphore(%run_scoped3A : memref<!tpu.dma_semaphore, #tpu.memory_space<semaphore_mem>>)
        %dma_wait3A_423 = tpu.memref_slice %arg7[%mul3A_420] : memref<64xf32, #tpu.memory_space<hbm>> -> memref<32xf32, #tpu.memory_space<hbm>>
        %dma_wait3A_424 = tpu.memref_slice %arg7[%mul3A_420] : memref<64xf32, #tpu.memory_space<hbm>> -> memref<32xf32, #tpu.memory_space<hbm>>
        tpu.wait_dma2 semaphore(%run_scoped3A : memref<!tpu.dma_semaphore, #tpu.memory_space<semaphore_mem>>) src(%arg17 : memref<32xf32, #tpu.memory_space<vmem>>) dst(%dma_wait3A_424 : memref<32xf32, #tpu.memory_space<hbm>>)
        tpu.yield
      }) : () -> ()
    } else {
    }
    return
  }
}

module attributes {stable_mosaic.version = 14 : i64} {
  func.func @_fin_body(%arg0: i32, %arg1: memref<64xf32, #tpu.memory_space<vmem>>, %arg2: memref<2048xf32, #tpu.memory_space<vmem>>, %arg3: memref<2048xf32, #tpu.memory_space<vmem>>, %arg4: memref<2048x128xf32, #tpu.memory_space<vmem>>, %arg5: memref<128x128xf32, #tpu.memory_space<vmem>>, %arg6: memref<128xf32, #tpu.memory_space<vmem>>, %arg7: memref<2048xf32, #tpu.memory_space<vmem>>, %arg8: memref<128xf32, #tpu.memory_space<vmem>>) attributes {dimension_semantics = [#tpu.dimension_semantics<arbitrary>], iteration_bounds = array<i64: 5>, scalar_prefetch = 0 : i64, scratch_operands = 0 : i64, tpu.core_type = #tpu.core_type<tc>, window_params = [{pipeline_mode = #tpu.pipeline_mode<synchronous>, transform_indices = @transform_0, window_bounds = array<i64: 64>}, {transform_indices = @transform_1, window_bounds = array<i64: 2048>}, {transform_indices = @transform_2, window_bounds = array<i64: 2048>}, {transform_indices = @transform_3, window_bounds = array<i64: 2048, 128>}, {pipeline_mode = #tpu.pipeline_mode<synchronous>, transform_indices = @transform_4, window_bounds = array<i64: 128, 128>}, {pipeline_mode = #tpu.pipeline_mode<synchronous>, transform_indices = @transform_5, window_bounds = array<i64: 128>}, {transform_indices = @transform_6, window_bounds = array<i64: 2048>}, {pipeline_mode = #tpu.pipeline_mode<synchronous>, transform_indices = @transform_7, window_bounds = array<i64: 128>}]} {
    %get3A = arith.constant 0 : index
    %get3A_0 = vector.load %arg1[%get3A] : memref<64xf32, #tpu.memory_space<vmem>>, vector<64xf32>
    %slice3A = vector.extract_strided_slice %get3A_0 {offsets = [0], sizes = [16], strides = [1]} : vector<64xf32> to vector<16xf32>
    %reduce_max3A = vector.shape_cast %slice3A : vector<16xf32> to vector<1x16xf32>
    %reduce_max3A_1 = arith.constant dense<0xFF800000> : vector<1xf32>
    %reduce_max3A_2 = vector.multi_reduction <maximumf>, %reduce_max3A, %reduce_max3A_1 [1] : vector<1x16xf32> to vector<1xf32>
    %reduce_max3A_3 = vector.shape_cast %reduce_max3A_2 : vector<1xf32> to vector<1x1xf32>
    %reduce_max3A_4 = vector.extract %reduce_max3A_3[0, 0] : f32 from vector<1x1xf32>
    %slice3A_5 = vector.extract_strided_slice %get3A_0 {offsets = [32], sizes = [16], strides = [1]} : vector<64xf32> to vector<16xf32>
    %reduce_max3A_6 = vector.shape_cast %slice3A_5 : vector<16xf32> to vector<1x16xf32>
    %reduce_max3A_7 = arith.constant dense<0xFF800000> : vector<1xf32>
    %reduce_max3A_8 = vector.multi_reduction <maximumf>, %reduce_max3A_6, %reduce_max3A_7 [1] : vector<1x16xf32> to vector<1xf32>
    %reduce_max3A_9 = vector.shape_cast %reduce_max3A_8 : vector<1xf32> to vector<1x1xf32>
    %reduce_max3A_10 = vector.extract %reduce_max3A_9[0, 0] : f32 from vector<1x1xf32>
    %max3A = arith.maximumf %reduce_max3A_4, %reduce_max3A_10 : f32
    %sub3A = arith.subf %reduce_max3A_4, %max3A : f32
    %exp3A = math.exp %sub3A : f32
    %sub3A_11 = arith.subf %reduce_max3A_10, %max3A : f32
    %exp3A_12 = math.exp %sub3A_11 : f32
    %slice3A_13 = vector.extract_strided_slice %get3A_0 {offsets = [16], sizes = [16], strides = [1]} : vector<64xf32> to vector<16xf32>
    %reduce_sum3A = vector.shape_cast %slice3A_13 : vector<16xf32> to vector<1x16xf32>
    %reduce_sum3A_14 = arith.constant dense<0.000000e+00> : vector<1xf32>
    %reduce_sum3A_15 = vector.multi_reduction <add>, %reduce_sum3A, %reduce_sum3A_14 [1] : vector<1x16xf32> to vector<1xf32>
    %reduce_sum3A_16 = vector.shape_cast %reduce_sum3A_15 : vector<1xf32> to vector<1x1xf32>
    %reduce_sum3A_17 = vector.extract %reduce_sum3A_16[0, 0] : f32 from vector<1x1xf32>
    %mul3A = arith.mulf %exp3A, %reduce_sum3A_17 : f32
    %slice3A_18 = vector.extract_strided_slice %get3A_0 {offsets = [48], sizes = [16], strides = [1]} : vector<64xf32> to vector<16xf32>
    %reduce_sum3A_19 = vector.shape_cast %slice3A_18 : vector<16xf32> to vector<1x16xf32>
    %reduce_sum3A_20 = arith.constant dense<0.000000e+00> : vector<1xf32>
    %reduce_sum3A_21 = vector.multi_reduction <add>, %reduce_sum3A_19, %reduce_sum3A_20 [1] : vector<1x16xf32> to vector<1xf32>
    %reduce_sum3A_22 = vector.shape_cast %reduce_sum3A_21 : vector<1xf32> to vector<1x1xf32>
    %reduce_sum3A_23 = vector.extract %reduce_sum3A_22[0, 0] : f32 from vector<1x1xf32>
    %mul3A_24 = arith.mulf %exp3A_12, %reduce_sum3A_23 : f32
    %add3A = arith.addf %mul3A, %mul3A_24 : f32
    %get3A_25 = arith.constant 0 : index
    %get3A_26 = vector.load %arg2[%get3A_25] : memref<2048xf32, #tpu.memory_space<vmem>>, vector<2048xf32>
    %mul3A_27 = vector.broadcast %exp3A : f32 to vector<2048xf32>
    %mul3A_28 = arith.mulf %mul3A_27, %get3A_26 : vector<2048xf32>
    %get3A_29 = arith.constant 0 : index
    %get3A_30 = vector.load %arg3[%get3A_29] : memref<2048xf32, #tpu.memory_space<vmem>>, vector<2048xf32>
    %mul3A_31 = vector.broadcast %exp3A_12 : f32 to vector<2048xf32>
    %mul3A_32 = arith.mulf %mul3A_31, %get3A_30 : vector<2048xf32>
    %add3A_33 = arith.addf %mul3A_28, %mul3A_32 : vector<2048xf32>
    %div3A = arith.constant 1.000000e+00 : f32
    %div3A_34 = arith.divf %div3A, %add3A : f32
    %mul3A_35 = vector.broadcast %div3A_34 : f32 to vector<2048xf32>
    %mul3A_36 = arith.mulf %add3A_33, %mul3A_35 : vector<2048xf32>
    %swap3A = arith.constant 0 : index
    %swap3A_37 = vector.load %arg7[%swap3A] : memref<2048xf32, #tpu.memory_space<vmem>>, vector<2048xf32>
    tpu.vector_store %arg7[%swap3A], %mul3A_36 {strides = array<i32>} : memref<2048xf32, #tpu.memory_space<vmem>>, vector<2048xf32>,
    %reshape3A = vector.shape_cast %mul3A_36 : vector<2048xf32> to vector<1x2048xf32>
    %get3A_38 = arith.constant 0 : index
    %get3A_39 = arith.constant 0 : index
    %get3A_40 = vector.load %arg4[%get3A_38, %get3A_39] : memref<2048x128xf32, #tpu.memory_space<vmem>>, vector<2048x128xf32>
    %dot_general3A = arith.constant dense<0.000000e+00> : vector<1x128xf32>
    %dot_general3A_41 = tpu.matmul %reshape3A, %get3A_40, %dot_general3A {dimension_numbers = #tpu.dot_dimension_numbers<[1], [0], [0], [1], [0, 0, 1, 1], [], []>, transpose_lhs_hint = false} : vector<1x2048xf32>, vector<2048x128xf32>, vector<1x128xf32> -> vector<1x128xf32>
    %eq3A = arith.constant 0 : i32
    %eq3A_42 = arith.cmpi eq, %arg0, %eq3A : i32
    %convert_element_type3A = arith.extui %eq3A_42 : i1 to i32
    %cond3A = arith.constant 0 : i32
    %cond3A_43 = arith.cmpi ne, %convert_element_type3A, %cond3A : i32
    scf.if %cond3A_43 {
      %squeeze3A = vector.shape_cast %dot_general3A_41 : vector<1x128xf32> to vector<128xf32>
      %swap3A_53 = arith.constant 0 : index
      %swap3A_54 = vector.load %arg8[%swap3A_53] : memref<128xf32, #tpu.memory_space<vmem>>, vector<128xf32>
      tpu.vector_store %arg8[%swap3A_53], %squeeze3A {strides = array<i32>} : memref<128xf32, #tpu.memory_space<vmem>>, vector<128xf32>,
    } else {
    }
    %gt3A = arith.constant 0 : i32
    %gt3A_44 = arith.cmpi sgt, %arg0, %gt3A : i32
    %convert_element_type3A_45 = arith.extui %gt3A_44 : i1 to i32
    %cond3A_46 = arith.constant 0 : i32
    %cond3A_47 = arith.cmpi ne, %convert_element_type3A_45, %cond3A_46 : i32
    scf.if %cond3A_47 {
      %get3A_53 = arith.constant 0 : index
      %get3A_54 = vector.load %arg8[%get3A_53] : memref<128xf32, #tpu.memory_space<vmem>>, vector<128xf32>
      %squeeze3A = vector.shape_cast %dot_general3A_41 : vector<1x128xf32> to vector<128xf32>
      %add3A_55 = arith.addf %get3A_54, %squeeze3A : vector<128xf32>
      %swap3A_56 = arith.constant 0 : index
      %swap3A_57 = vector.load %arg8[%swap3A_56] : memref<128xf32, #tpu.memory_space<vmem>>, vector<128xf32>
      tpu.vector_store %arg8[%swap3A_56], %add3A_55 {strides = array<i32>} : memref<128xf32, #tpu.memory_space<vmem>>, vector<128xf32>,
    } else {
    }
    %eq3A_48 = arith.constant 4 : i32
    %eq3A_49 = arith.cmpi eq, %arg0, %eq3A_48 : i32
    %convert_element_type3A_50 = arith.extui %eq3A_49 : i1 to i32
    %cond3A_51 = arith.constant 0 : i32
    %cond3A_52 = arith.cmpi ne, %convert_element_type3A_50, %cond3A_51 : i32
    scf.if %cond3A_52 {
      %get3A_53 = arith.constant 0 : index
      %get3A_54 = vector.load %arg8[%get3A_53] : memref<128xf32, #tpu.memory_space<vmem>>, vector<128xf32>
      %reshape3A_55 = vector.shape_cast %get3A_54 : vector<128xf32> to vector<1x128xf32>
      %get3A_56 = arith.constant 0 : index
      %get3A_57 = arith.constant 0 : index
      %get3A_58 = vector.load %arg5[%get3A_56, %get3A_57] : memref<128x128xf32, #tpu.memory_space<vmem>>, vector<128x128xf32>
      %dot_general3A_59 = arith.constant dense<0.000000e+00> : vector<1x128xf32>
      %dot_general3A_60 = tpu.matmul %reshape3A_55, %get3A_58, %dot_general3A_59 {dimension_numbers = #tpu.dot_dimension_numbers<[1], [0], [0], [1], [0, 0, 1, 1], [], []>, transpose_lhs_hint = false} : vector<1x128xf32>, vector<128x128xf32>, vector<1x128xf32> -> vector<1x128xf32>
      %squeeze3A = vector.shape_cast %dot_general3A_60 : vector<1x128xf32> to vector<128xf32>
      %get3A_61 = arith.constant 0 : index
      %get3A_62 = vector.load %arg6[%get3A_61] : memref<128xf32, #tpu.memory_space<vmem>>, vector<128xf32>
      %add3A_63 = arith.addf %squeeze3A, %get3A_62 : vector<128xf32>
      %swap3A_64 = arith.constant 0 : index
      %swap3A_65 = vector.load %arg8[%swap3A_64] : memref<128xf32, #tpu.memory_space<vmem>>, vector<128xf32>
      tpu.vector_store %arg8[%swap3A_64], %add3A_63 {strides = array<i32>} : memref<128xf32, #tpu.memory_space<vmem>>, vector<128xf32>,
    } else {
    }
    return
  }
  func.func @transform_0(%arg0: i32) -> i32 {
    %c0_i32 = arith.constant 0 : i32
    %c0_i32_0 = arith.constant 0 : i32
    return %c0_i32 : i32
  }
  func.func @transform_1(%arg0: i32) -> i32 {
    %c0_i32 = arith.constant 0 : i32
    return %arg0 : i32
  }
  func.func @transform_2(%arg0: i32) -> i32 {
    %c0_i32 = arith.constant 0 : i32
    return %arg0 : i32
  }
  func.func @transform_3(%arg0: i32) -> (i32, i32) {
    %c0_i32 = arith.constant 0 : i32
    %c0_i32_0 = arith.constant 0 : i32
    return %arg0, %c0_i32 : i32, i32
  }
  func.func @transform_4(%arg0: i32) -> (i32, i32) {
    %c0_i32 = arith.constant 0 : i32
    %c0_i32_0 = arith.constant 0 : i32
    %c0_i32_1 = arith.constant 0 : i32
    return %c0_i32, %c0_i32_0 : i32, i32
  }
  func.func @transform_5(%arg0: i32) -> i32 {
    %c0_i32 = arith.constant 0 : i32
    %c0_i32_0 = arith.constant 0 : i32
    return %c0_i32 : i32
  }
  func.func @transform_6(%arg0: i32) -> i32 {
    %c0_i32 = arith.constant 0 : i32
    return %arg0 : i32
  }
  func.func @transform_7(%arg0: i32) -> i32 {
    %c0_i32 = arith.constant 0 : i32
    %c0_i32_0 = arith.constant 0 : i32
    return %c0_i32 : i32
  }
}

module attributes {stable_mosaic.version = 14 : i64} {
  func.func @_qk_body(%arg0: i32, %arg1: memref<2048x128xf32, #tpu.memory_space<vmem>>, %arg2: memref<128x2xf32, #tpu.memory_space<vmem>>, %arg3: memref<1xf32, #tpu.memory_space<vmem>>, %arg4: memref<1xf32, #tpu.memory_space<vmem>>, %arg5: memref<2048xf32, #tpu.memory_space<vmem>>, %arg6: memref<2048xf32, #tpu.memory_space<vmem>>) attributes {dimension_semantics = [#tpu.dimension_semantics<arbitrary>], iteration_bounds = array<i64: 5>, scalar_prefetch = 0 : i64, scratch_operands = 0 : i64, tpu.core_type = #tpu.core_type<tc>, window_params = [{transform_indices = @transform_0, window_bounds = array<i64: 2048, 128>}, {pipeline_mode = #tpu.pipeline_mode<synchronous>, transform_indices = @transform_1, window_bounds = array<i64: 128, 2>}, {pipeline_mode = #tpu.pipeline_mode<synchronous>, transform_indices = @transform_2, window_bounds = array<i64: 1>}, {pipeline_mode = #tpu.pipeline_mode<synchronous>, transform_indices = @transform_3, window_bounds = array<i64: 1>}, {transform_indices = @transform_4, window_bounds = array<i64: 2048>}, {transform_indices = @transform_5, window_bounds = array<i64: 2048>}]} {
    %get3A = arith.constant 0 : index
    %get3A_0 = arith.constant 0 : index
    %get3A_1 = vector.load %arg1[%get3A, %get3A_0] : memref<2048x128xf32, #tpu.memory_space<vmem>>, vector<2048x128xf32>
    %get3A_2 = arith.constant 0 : index
    %get3A_3 = arith.constant 0 : index
    %get3A_4 = vector.load %arg2[%get3A_2, %get3A_3] : memref<128x2xf32, #tpu.memory_space<vmem>>, vector<128x2xf32>
    %dot_general3A = arith.constant dense<0.000000e+00> : vector<2x2048xf32>
    %dot_general3A_5 = tpu.matmul %get3A_4, %get3A_1, %dot_general3A {dimension_numbers = #tpu.dot_dimension_numbers<[0], [1], [1], [0], [0, 1, 1, 0], [], []>, transpose_lhs_hint = false} : vector<128x2xf32>, vector<2048x128xf32>, vector<2x2048xf32> -> vector<2x2048xf32>
    %slice3A = vector.extract_strided_slice %dot_general3A_5 {offsets = [0, 0], sizes = [1, 2048], strides = [1, 1]} : vector<2x2048xf32> to vector<1x2048xf32>
    %squeeze3A = vector.shape_cast %slice3A : vector<1x2048xf32> to vector<2048xf32>
    %get3A_6 = arith.constant 0 : index
    %get3A_7 = vector.load %arg3[%get3A_6] : memref<1xf32, #tpu.memory_space<vmem>>, vector<1xf32>
    %get3A_8 = vector.extract %get3A_7[0] : f32 from vector<1xf32>
    %add3A = vector.broadcast %get3A_8 : f32 to vector<2048xf32>
    %add3A_9 = arith.addf %squeeze3A, %add3A : vector<2048xf32>
    %swap3A = arith.constant 0 : index
    %swap3A_10 = vector.load %arg5[%swap3A] : memref<2048xf32, #tpu.memory_space<vmem>>, vector<2048xf32>
    tpu.vector_store %arg5[%swap3A], %add3A_9 {strides = array<i32>} : memref<2048xf32, #tpu.memory_space<vmem>>, vector<2048xf32>,
    %slice3A_11 = vector.extract_strided_slice %dot_general3A_5 {offsets = [1, 0], sizes = [1, 2048], strides = [1, 1]} : vector<2x2048xf32> to vector<1x2048xf32>
    %squeeze3A_12 = vector.shape_cast %slice3A_11 : vector<1x2048xf32> to vector<2048xf32>
    %get3A_13 = arith.constant 0 : index
    %get3A_14 = vector.load %arg4[%get3A_13] : memref<1xf32, #tpu.memory_space<vmem>>, vector<1xf32>
    %get3A_15 = vector.extract %get3A_14[0] : f32 from vector<1xf32>
    %add3A_16 = vector.broadcast %get3A_15 : f32 to vector<2048xf32>
    %add3A_17 = arith.addf %squeeze3A_12, %add3A_16 : vector<2048xf32>
    %swap3A_18 = arith.constant 0 : index
    %swap3A_19 = vector.load %arg6[%swap3A_18] : memref<2048xf32, #tpu.memory_space<vmem>>, vector<2048xf32>
    tpu.vector_store %arg6[%swap3A_18], %add3A_17 {strides = array<i32>} : memref<2048xf32, #tpu.memory_space<vmem>>, vector<2048xf32>,
    return
  }
  func.func @transform_0(%arg0: i32) -> (i32, i32) {
    %c0_i32 = arith.constant 0 : i32
    %c0_i32_0 = arith.constant 0 : i32
    return %arg0, %c0_i32 : i32, i32
  }
  func.func @transform_1(%arg0: i32) -> (i32, i32) {
    %c0_i32 = arith.constant 0 : i32
    %c0_i32_0 = arith.constant 0 : i32
    %c0_i32_1 = arith.constant 0 : i32
    return %c0_i32, %c0_i32_0 : i32, i32
  }
  func.func @transform_2(%arg0: i32) -> i32 {
    %c0_i32 = arith.constant 0 : i32
    %c0_i32_0 = arith.constant 0 : i32
    return %c0_i32 : i32
  }
  func.func @transform_3(%arg0: i32) -> i32 {
    %c0_i32 = arith.constant 0 : i32
    %c0_i32_0 = arith.constant 0 : i32
    return %c0_i32 : i32
  }
  func.func @transform_4(%arg0: i32) -> i32 {
    %c0_i32 = arith.constant 0 : i32
    return %arg0 : i32
  }
  func.func @transform_5(%arg0: i32) -> i32 {
    %c0_i32 = arith.constant 0 : i32
    return %arg0 : i32
  }
}

</mosaic_0001>

<sc_bundles>
// kernel: kernel.5.cloned.1.call-start
scs
__scs_entry_jumppad:
0x0: {  	(pc) =	sbr.rel $0x88, $3  }
0x1: {  	(tag) =	ssettag $0x0;
	lr =	simm.s32 $0x1  }
0x2: {  	[smem:$0x3F99] =	sst lr;
	_ =	strace $0xD0000000  }
0x3: {  	_ = 	snop  }
0x4: {  	_ = 	snop  }
0x5: {  	_ = 	snop  }
0x6: {  	_ = 	snop  }
0x7: {  	_ = 	snop  }
__scs_overlays_trampoline_lowered:
0x8: {  	[smem:$0x3FA8] =	sst s0  }
0x9: {  	[smem:$0x3FA9] =	sst s1  }
0xa: {  	[smem:$0x3FAA] =	sst s2  }
0xb: {  	[smem:$0x3FAB] =	sst s3  }
0xc: {  	[smem:$0x3FAC] =	sst s4  }
0xd: {  	[smem:$0x3FAD] =	sst s5  }
0xe: {  	[smem:$0x3FAE] =	sst s6  }
0xf: {  	[smem:$0x3FAF] =	sst s7  }
0x10: {  	[smem:$0x3FB0] =	sst s8  }
0x11: {  	[smem:$0x3FB1] =	sst s9;
	s0 =	simm.s32 @!p0 $0x0  }
0x12: {  	s1 =	sld [smem:$0x3F97];
	s0 =	simm.s32 @p0 $0x1  }
0x13: {  	[smem:$0x3FB2] =	sst s0;
	s0 =	simm.s32 @!p1 $0x0  }
0x14: {  	s2 =	sld [smem:$0x3F96];
	s0 =	simm.s32 @p1 $0x1  }
0x15: {  	[smem:$0x3FB3] =	sst s0;
	s0 =	simm.s32 @!p2 $0x0  }
0x16: {  	s3 =	sld [smem:$0x3FDB];
	s0 =	simm.s32 @p2 $0x1  }
0x17: {  	s4 =	simm.s32 $0x1BF5;
	[smem:$0x3FB5] =	sst s0  }
0x18: {  	s0 =	sld [smem:$0x3F98];
	_ =	swait.ge [sflag:s4], $0x0  }
0x19: {  	s7 =	sld [smem:$0x3F99]  }
0x1a: {  	s8 =	sadd.s32 $0xFFFFE003, lr  }
0x1b: {  	s9 =	sadd.s32 $0xFFFFFEF7, lr;
	s5 =	simm.s32 $0xFFFFFFFF;
	p2 =	slt.u32 s8, $0xFFFFF086  }
0x1c: {  	p1 =	slt.u32 s9, $0xF7A;
	s5 =	simm.s32 @!p2 $0x0  }
0x1d: {  	s5 =	simm.s32 @p1 $0x1;
	p0 =	seq.s32 s7, s2  }
0x1e: {  	s7 =	smul.u32 @!p0 $0xF7A, s2;
	p2 =	seq.s32 @!p0 s5, $0x0  }
0x1f: {  	s9 =	smul.u32 $0xF7A, s1;
	s8 =	simm.s32 @!p0 $0x1BF5;
	p2 =	por !p2, p0  }
0x20: {  	[sflag:s8] =	ssyncset.s32 @!p0 $0xFFFFF086;
	s6 =	sadd.s32 @!p0 s3, s7;
	s7 =	simm.s32 @!p0 $0x108  }
0x21: {  	s3 =	sadd.s32 s3, s9;
	s6 =	sadd.s32 @!p0 $0x88, s6;
	s7 =	simm.s32 @p2 $0x1082  }
0x22: {  	[simem:s7], [sflag:s8] =	dma.local @!p0 [hbm:s6], $0xF7A  }
0x23: {  	s9 =	sor.u32 $0xD0000000, s2;
	s6 =	simm.s32 $0x108;
	_ =	swait.ge @!p0 [sflag:s8], $0x0  }
0x24: {  	s3 =	sadd.s32 $0x88, s3;
	s6 =	simm.s32 @!p1 $0x1082;
	[sflag:s4] =	ssyncset.s32 $0xFFFFF086  }
0x25: {  	[simem:s6], [sflag:s4] =	dma.local [hbm:s3], $0xF7A  }
0x26: {  	[smem:$0x3F99] =	sst s1;
	(tag) =	ssettag s2;
	_ =	strace s9  }
0x27: {  	s1 =	sld [smem:$0x3FA9]  }
0x28: {  	s2 =	sld [smem:$0x3FAA]  }
0x29: {  	s4 =	sld [smem:$0x3FAC]  }
0x2a: {  	p0 =	seq.s32 s5, $0x0;
	s5 =	sld [smem:$0x3FAD]  }
0x2b: {  	s6 =	sld [smem:$0x3FAE]  }
0x2c: {  	s7 =	sld [smem:$0x3FAF]  }
0x2d: {  	s3 =	simm.s32 $0x108;
	s8 =	sld [smem:$0x3FB0]  }
0x2e: {  	s3 =	simm.s32 @!p0 $0x1082;
	s9 =	sld [smem:$0x3FB1]  }
0x2f: {  	lr =	sadd.s32 s0, s3;
	s0 =	sld [smem:$0x3FA8]  }
0x30: {  	s3 =	sld [smem:$0x3FAB]  }
0x31: {  	[smem:$0x3FB4] =	sst s10  }
0x32: {  	s10 =	sld [smem:$0x3FB2];
	_ =	sdelay $0x3  }
0x33: {  	p0 =	seq.s32 s10, $0x1;
	s10 =	sld [smem:$0x3FB4];
	_ =	sdelay $0x3  }
0x34: {  	[smem:$0x3FB4] =	sst s10  }
0x35: {  	s10 =	sld [smem:$0x3FB3];
	_ =	sdelay $0x3  }
0x36: {  	p1 =	seq.s32 s10, $0x1;
	s10 =	sld [smem:$0x3FB4];
	_ =	sdelay $0x3  }
0x37: {  	[smem:$0x3FB4] =	sst s10  }
0x38: {  	s10 =	sld [smem:$0x3FB5]  }
0x39: {  	_ = 	snop;
	(pc) =	sbr.ind lr, $3  }
0x3a: {  	_ = 	snop  }
0x3b: {  	_ = 	snop  }
0x3c: {  	p2 =	seq.s32 s10, $0x1;
	s10 =	sld [smem:$0x3FB4]  }
0x3d: {  	_ =	shalt  }
0x3e: {  	_ =	shalt  }
0x3f: {  	_ =	shalt  }
0x40: {  	_ =	shalt  }
0x41: {  	_ =	shalt  }
0x42: {  	_ =	shalt  }
0x43: {  	_ =	shalt  }
0x44: {  	_ =	shalt  }
0x45: {  	_ =	shalt  }
0x46: {  	_ =	shalt  }
0x47: {  	_ =	shalt  }
0x48: {  	_ =	shalt  }
0x49: {  	_ =	shalt  }
0x4a: {  	_ =	shalt  }
0x4b: {  	_ =	shalt  }
0x4c: {  	_ =	shalt  }
0x4d: {  	_ =	shalt  }
0x4e: {  	_ =	shalt  }
0x4f: {  	_ =	shalt  }
0x50: {  	_ =	shalt  }
0x51: {  	_ =	shalt  }
0x52: {  	_ =	shalt  }
0x53: {  	_ =	shalt  }
0x54: {  	_ =	shalt  }
0x55: {  	_ =	shalt  }
0x56: {  	_ =	shalt  }
0x57: {  	_ =	shalt  }
0x58: {  	_ =	shalt  }
0x59: {  	_ =	shalt  }
0x5a: {  	_ =	shalt  }
0x5b: {  	_ =	shalt  }
0x5c: {  	_ =	shalt  }
0x5d: {  	_ =	shalt  }
0x5e: {  	_ =	shalt  }
0x5f: {  	_ =	shalt  }
0x60: {  	_ =	shalt  }
0x61: {  	_ =	shalt  }
0x62: {  	_ =	shalt  }
0x63: {  	_ =	shalt  }
0x64: {  	_ =	shalt  }
0x65: {  	_ =	shalt  }
0x66: {  	_ =	shalt  }
0x67: {  	_ =	shalt  }
0x68: {  	_ =	shalt  }
0x69: {  	_ =	shalt  }
0x6a: {  	_ =	shalt  }
0x6b: {  	_ =	shalt  }
0x6c: {  	_ =	shalt  }
0x6d: {  	_ =	shalt  }
0x6e: {  	_ =	shalt  }
0x6f: {  	_ =	shalt  }
0x70: {  	_ =	shalt  }
0x71: {  	_ =	shalt  }
0x72: {  	_ =	shalt  }
0x73: {  	_ =	shalt  }
0x74: {  	_ =	shalt  }
0x75: {  	_ =	shalt  }
0x76: {  	_ =	shalt  }
0x77: {  	_ =	shalt  }
0x78: {  	_ =	shalt  }
0x79: {  	_ =	shalt  }
0x7a: {  	_ =	shalt  }
0x7b: {  	_ =	shalt  }
0x7c: {  	_ =	shalt  }
0x7d: {  	_ =	shalt  }
0x7e: {  	_ =	shalt  }
0x7f: {  	_ =	shalt  }
0x80: {  	_ =	shalt  }
0x81: {  	_ =	shalt  }
0x82: {  	_ =	shalt  }
0x83: {  	_ =	shalt  }
0x84: {  	_ =	shalt  }
0x85: {  	_ =	shalt  }
0x86: {  	_ =	shalt  }
0x87: {  	_ =	shalt  }
.Lfunc_end0:
.L_simem_size_0:
called_computation_lowered:
.L_overlay_start_0:
0x88: {  	s2 =	sld [smem:$0x3FD9]  }
0x89: {  	s3 =	sld [smem:$0x3FFE];
	_ =	sdelay $0x1  }
0x8a: {  	s1 =	srdreg.scid  }
0x8b: {  	s0 =	sand.u32 $0x1, s1  }
0x8c: {  	s14 =	sshll.u32 s0, $0xA;
	s2 =	sadd.s32 s3, s2  }
0x8d: {  	s2 =	sadd.s32 s2, s14  }
0x8e: {  	[smem:$0x3FC0] =	sst s2  }
0x8f: {  	_ = 	snop  }
0x90: {  	s2 =	sld [smem:$0x3FD0];
	_ =	sdelay $0x2  }
0x91: {  	s4 =	simm.s32 $0xA;
	s5 =	simm.s32 $0x10;
	s15 =	sld [smem:$0x3FC8]  }
0x92: {  	[smem:s5], [sflag:s4] =	dma.local [hbm:s2], $0x1  }
0x93: {  	_ =	swait.eq [sflag:s4], $0x1  }
0x94: {  	[sflag:s4] =	ssyncset.done $0x0  }
0x95: {  	s16 =	sld [smem:$0x10];
	[sflag:s4] =	ssyncadd.s32 $0xFFFFFFFF  }
0x96: {  	s17 =	sld [smem:$0x11];
	(tm) =	ssettm $0x1  }
0x97: {  	s18 =	sld [smem:$0x3FFB];
	_ =	sdelay $0x3  }
0x98: {  	_ =	strace s18  }
0x99: {  	s5 =	sld [smem:$0x3FFC];
	_ =	sdelay $0x3  }
0x9a: {  	_ =	strace s5  }
0x9b: {  	s5 =	sld [smem:$0x3FFD];
	_ =	sdelay $0x3  }
0x9c: {  	_ =	strace s5  }
0x9d: {  	_ =	strace $0x8FFFFFFF  }
0x9e: {  	s19 =	sld [smem:$0x3FDB];
	_ =	sdelay $0x1  }
0x9f: {  	s6 =	simm.s32 $_scs_section_size  }
0xa0: {  	s7 =	simm.s32 $_size__tile_overlayer_lowered;
	s8 =	simm.s32 $_tile_overlayer_lowered  }
0xa1: {  	s22 =	simm.s32 $0x1BFF;
	s21 =	sshll.u32 s8, $0x1;
	s5 =	sadd.s32 s6, s19  }
0xa2: {  	s9 =	simm.s32 $0x0;
	s20 =	sshll.u32 s7, $0x1;
	s7 =	sadd.s32 s21, s5  }
0xa3: {  	[timem:s9], [sflag:s22] =	dma.local [hbm:s7], s20  }
0xa4: {  	_ =	swait.ge [sflag:s22], s20  }
0xa5: {  	s6 =	ssub.s32 $0x0, s20;
	[sflag:s22] =	ssyncset.done $0x0  }
0xa6: {  	[sflag:s22] =	ssyncadd.s32 s6;
	_ =	sdelay $0x1  }
0xa7: {  	s23 =	simm.s32 $0x1B8B  }
0xa8: {  	_ =	swait.ge [sflag:s23], $0x1  }
0xa9: {  	[sflag:s23] =	ssyncset.done $0x0  }
0xaa: {  	s25 =	simm.s32 $0x1B8E;
	s24 =	sld [smem:$0x3FFE];
	[sflag:s23] =	ssyncadd.s32 $0xFFFFFFFF  }
0xab: {  	s26 =	simm.s32 $execute0_lowered;
	[smem:$0x3FD2] =	sst s25  }
0xac: {  	s7 =	sshll.u32 s26, $0x1;
	_ =	strace $0x80000046;
	[dreg:$0x1] =	wrdreg $0xFFFFFFFF  }
0xad: {  	s28 =	simm.s32 $_size_execute0_lowered;
	s5 =	sadd.s32 s5, s7;
	[dreg:$0x0] =	wrdreg $0x0  }
0xae: {  	s7 =	sshll.u32 s28, $0x1;
	[dreg:$0x2] =	wrdreg s5  }
0xaf: {  	[dreg:$0x3] =	wrdreg s7  }
0xb0: {  	[dreg:$0x4] =	wrdreg $0xC0  }
0xb1: {  	_ =	task [dreg:s9], $0x5FFFF  }
0xb2: {  	[dreg:$0x1] =	wrdreg $0xFFFFFFFF  }
0xb3: {  	[dreg:$0x0] =	wrdreg $0x60  }
0xb4: {  	[dreg:$0x2] =	wrdreg s17  }
0xb5: {  	[dreg:$0x3] =	wrdreg s24  }
0xb6: {  	[dreg:$0x4] =	wrdreg s15  }
0xb7: {  	[dreg:$0x5] =	wrdreg s16  }
0xb8: {  	[dreg:$0x6] =	wrdreg $0x11C000  }
0xb9: {  	[dreg:$0x7] =	wrdreg $0x11E800  }
0xba: {  	[dreg:$0x8] =	wrdreg $0x121000  }
0xbb: {  	[dreg:$0x9] =	wrdreg $0x121100  }
0xbc: {  	[dreg:$0xa] =	wrdreg $0x121200  }
0xbd: {  	[dreg:$0xb] =	wrdreg $0x9  }
0xbe: {  	_ =	task.clear_ibuf [dreg:s9], $0xCFFFF;
	_ =	strace $0x90000046  }
0xbf: {  	s29 =	simm.s32 $0x9;
	_ =	strace $0x80000050  }
0xc0: {  	_ =	swait.ge [sflag:s29], $0x1  }
0xc1: {  	[sflag:s29] =	ssyncadd.s32 $0xFFFFFFFF  }
0xc2: {  	_ =	strace $0x90000050  }
0xc3: {  	_ =	sfence  }
0xc4: {  	s30 =	sld [smem:$0x0];
	_ =	sdelay $0x2  }
0xc5: {  	s31 =	sshll.u32 s1, $0xD;
	s1 =	sshrl.u32 s1, $0x2  }
0xc6: {  	s3 =	sand.u32 $0x4000, s31;
	s1 =	sadd.s32 s1, s30  }
0xc7: {  	s0 =	sor.u32 s3, s0;
	s1 =	sshll.u32 s1, $0x11  }
0xc8: {  	s0 =	sor.u32 s1, s0  }
0xc9: {  	s0 =	sadd.s32 $0x8F2B, s0  }
0xca: {  	[sflag:s0] =	ssyncadd.remote.s32 $0x1  }
0xcb: {  	_ =	sfence.sel $0xFFFF  }
0xcc: {  	[dreg:$0x0] =	wrdreg $0xFFFFFFFF;
	(pc) =	sbr.abs _section_cstart, $3  }
0xcd: {  	[dreg:$0x1] =	wrdreg $0xFFFFFFFF  }
0xce: {  	_ =	task.clear_ibuf [dreg:s9], $0x2FFFF;
	_ =	strace $0x9FFFFFFF  }
0xcf: {  	(tm) =	ssettm $0x7FFFFFFF  }
tec
execute0_lowered:
.L_overlay_start_1:
0x0: {  	(tag) =	ssettag $0x1  }
0x1: {  	s0 =	rddreg [dreg:$0x0]  }
0x2: {  	s1 =	rddreg [dreg:$0x1]  }
0x3: {  	s2 =	rddreg [dreg:$0x2]  }
0x4: {  	s3 =	rddreg [dreg:$0x3]  }
0x5: {  	s14 =	rddreg [dreg:$0x4]  }
0x6: {  	s16 =	rddreg [dreg:$0x5]  }
0x7: {  	s4 =	srdreg.scid;
	s17 =	rddreg [dreg:$0x6]  }
0x8: {  	s18 =	rddreg [dreg:$0x7];
	s6 =	stileid.u32  }
0x9: {  	s7 =	rddreg [dreg:$0x8];
	s11 =	smul.u32 $0x280, s6  }
0xa: {  	s4 =	sand.u32 $0x1, s4;
	s20 =	sshll.u32 s6, $0x6;
	s23 =	smul.u32 $0xA000, s6  }
0xb: {  	s24 =	sshll.u32 s6, $0x4;
	s28 =	smul.u32 $0x2710, s6;
	p1 =	sne.s32 s6, $0xF  }
0xc: {  	s5 =	sshll.u32 s4, $0x4;
	s15 =	ssub.s32 $0x2, s4;
	s25 =	smul.u32 $0x27100, s4  }
0xd: {  	s26 =	sadd.s32 s24, s17;
	p0 =	seq.s32 s4, $0x1;
	s30 =	sshll.u32 s4, $0x2  }
0xe: {  	s4 =	smul.u32 $0x4E200, s4;
	s8 =	sor.u32 s6, s5;
	s5 =	simm.s32 $0x0  }
0xf: {  	s12 =	sshrl.u32 s11, $0x3;
	s13 =	sshrl.u32 s15, $0x1;
	s9 =	smul.u32 $0x2710, s8  }
0x10: {  	[smem:$0x7FF] =	sst s5;
	s1 =	sadd.s32 s12, s1;
	s13 =	ssub.s32 s15, s13  }
0x11: {  	s15 =	sadd.s32 s11, s14;
	s0 =	sadd.s32 s0, s12;
	s8 =	sor.u32 $0x1C02, s20  }
0x12: {  	s12 =	sshrl.u32 s23, $0x2;
	_ =	strace $0x80000047;
	[dreg:$0xb] =	wrdreg s0  }
0x13: {  	s14 =	sadd.s32 s11, s7;
	s21 =	sadd.s32 $0x2400, s1;
	[dreg:$0xd] =	wrdreg s26  }
0x14: {  	s31 =	sadd.s32 s28, s25;
	s29 =	sadd.s32 s12, s7;
	[dreg:$0xc] =	wrdreg s21  }
0x15: {  	s0 =	sadd.s32 s11, s16;
	s11 =	sadd.s32 $0x2800, s14;
	[dreg:$0xf] =	wrdreg s29  }
0x16: {  	s23 =	smul.u32 $0x4E20, s6;
	s16 =	sadd.s32 $0x5000, s14;
	[dreg:$0x11] =	wrdreg s11  }
0x17: {  	s17 =	sadd.s32 $0x7800, s14;
	s25 =	sadd.s32 $0xF000, s14;
	[dreg:$0x13] =	wrdreg s16  }
0x18: {  	s26 =	sadd.s32 $0x11800, s14;
	s28 =	sadd.s32 $0x14000, s14;
	[dreg:$0x14] =	wrdreg s17  }
0x19: {  	s7 =	sadd.s32 $0x25800, s14;
	s10 =	sand.u32 $0x7FF80, s9;
	[dreg:$0x1a] =	wrdreg s25  }
0x1a: {  	s21 =	sshrl.u32 s15, $0x3;
	s0 =	sshrl.u32 s0, $0x3;
	[dreg:$0x1b] =	wrdreg s26  }
0x1b: {  	[dreg:$0x1c] =	wrdreg s28;
	s29 =	sadd.s32 $0x16800, s14;
	s11 =	simm.s32 $0x2800  }
0x1c: {  	s15 =	simm.s32 $0x3;
	s16 =	simm.s32 $0xC780;
	[dreg:$0x16] =	wrdreg s21  }
0x1d: {  	s17 =	simm.s32 $0x0;
	s10 =	smin.u32 s10, $0x4BA00;
	[dreg:$0x17] =	wrdreg s0  }
0x1e: {  	[dreg:$0x1d] =	wrdreg s29;
	s19 =	sshrl.u32 s10, $0x2;
	s10 =	ssub.s32 s9, s10  }
0x1f: {  	s9 =	sand.u32 $0x70, s9;
	s2 =	sadd.s32 s2, s19;
	s22 =	sshll.u32 s10, $0x1  }
0x20: {  	s19 =	smax.u32 s13, $0x1;
	[dreg:$0xa] =	wrdreg s2;
	s2 =	sand.u32 $0xFFFFFF00, s22  }
0x21: {  	[dreg:$0x15] =	wrdreg s19;
	s22 =	sadd.s32 $0xA000, s14;
	s10 =	sor.u32 s9, s2  }
0x22: {  	s2 =	sadd.s32 s24, s18;
	s9 =	sand.u32 $0x7FF80, s31;
	[dreg:$0x18] =	wrdreg s22  }
0x23: {  	s24 =	sadd.s32 $0xC800, s14;
	[dreg:$0xe] =	wrdreg s2;
	s2 =	sadd.s32 s3, s30  }
0x24: {  	s3 =	smin.u32 s9, $0x4BA00;
	[dreg:$0x19] =	wrdreg s24;
	s30 =	sadd.s32 $0x19000, s14  }
0x25: {  	s9 =	simm.s32 $0x2;
	[dreg:$0x10] =	wrdreg s2;
	s2 =	simm.s32 $0x3000  }
.Ltmp0:
0x26: {  	s12 =	sshll.u32 s3, $0x1;
	s18 =	ssub.s32 s31, s3;
	(pc) =	sbr.rel .LBB2_1-.Ltmp0, $4  }
0x27: {  	[dreg:$0x1e] =	wrdreg s30;
	s31 =	sadd.s32 $0x1B800, s14;
	s2 =	simm.s32 @!p0 $0x2A00  }
0x28: {  	s20 =	ssub.s32 s4, s12;
	p0 =	sne.s32 s6, $0x0;
	[dreg:$0x1f] =	wrdreg s31  }
0x29: {  	s4 =	sadd.s32 $0x20800, s14;
	s6 =	sadd.s32 $0x23000, s14;
	s1 =	sadd.s32 s2, s1  }
0x2a: {  	v0 =	vimm.f32 $0.0e+00;
	s12 =	simm.s32 $0x1;
	s2 =	sadd.s32 $0x1E000, s14;
	[dreg:$0x12] =	wrdreg s1  }
.LBB2_12:
0x2b: {  	s0 =	rddreg [dreg:$0x12];
	s1 =	simm.s32 $0x11900  }
0x2c: {  	[hbm4b:s0+s5] =	stream.linear.scatter [tilespmem:s1], [sflag:$0x3], $0x280, $0x200038;
	[tilespmem:$0x14920] =	vst v63  }
0x2d: {  	_ =	swait.ge [sflag:s15], $0x280  }
0x2e: {  	[sflag:s15] =	ssyncset.done $0x0  }
0x2f: {  	[sflag:s15] =	ssyncadd.s32 $0xFFFFFD80  }
0x30: {  	_ =	strace $0x9000004F  }
0x31: {  	s0 =	simm.s32 @!p0 $0xF000;
	s1 =	rddreg [dreg:$0x7]  }
0x32: {  	[tilespmem:s0], [sflag:$0x3] =	stream.linear.gather @!p0 [spmem:s1], $0x100, $0x38;
	[tilespmem:$0x14920] =	vst v63  }
0x33: {  	s0 =	simm.s32 @!p0 $0x3  }
0x34: {  	_ =	swait.ge @!p0 [sflag:s0], $0x100  }
0x35: {  	[sflag:s0] =	ssyncset.done @!p0 $0x0  }
0x36: {  	[sflag:s0] =	ssyncadd.s32 @!p0 $0xFFFFFF00  }
0x37: {  	v2 =	vld @!p0 [tilespmem:$0xF000]  }
0x38: {  	v3 =	vld @!p0 [tilespmem:$0xF010];
	_ =	sdelay $0x1  }
0x39: {  	v4 =	vld @!p0 [tilespmem:$0xF020];
	_ =	sdelay $0x1  }
0x3a: {  	v5 =	vld @!p0 [tilespmem:$0xF030]  }
0x3b: {  	v2 =	vadd.f32 @!p0 v3, v2  }
0x3c: {  	v3 =	vld @!p0 [tilespmem:$0xF040]  }
0x3d: {  	v2 =	vadd.f32 @!p0 v4, v2  }
0x3e: {  	v4 =	vld @!p0 [tilespmem:$0xF050]  }
0x3f: {  	v2 =	vadd.f32 @!p0 v5, v2  }
0x40: {  	v5 =	vld @!p0 [tilespmem:$0xF060]  }
0x41: {  	v2 =	vadd.f32 @!p0 v3, v2  }
0x42: {  	v3 =	vld @!p0 [tilespmem:$0xF070]  }
0x43: {  	v2 =	vadd.f32 @!p0 v4, v2  }
0x44: {  	v4 =	vld @!p0 [tilespmem:$0xF080]  }
0x45: {  	v2 =	vadd.f32 @!p0 v5, v2  }
0x46: {  	v5 =	vld @!p0 [tilespmem:$0xF090]  }
0x47: {  	v2 =	vadd.f32 @!p0 v3, v2  }
0x48: {  	v3 =	vld @!p0 [tilespmem:$0xF0A0]  }
0x49: {  	v2 =	vadd.f32 @!p0 v4, v2  }
0x4a: {  	v4 =	vld @!p0 [tilespmem:$0xF0B0]  }
0x4b: {  	v2 =	vadd.f32 @!p0 v5, v2  }
0x4c: {  	v5 =	vld @!p0 [tilespmem:$0xF0C0]  }
0x4d: {  	v2 =	vadd.f32 @!p0 v3, v2  }
0x4e: {  	v3 =	vld @!p0 [tilespmem:$0xF0D0]  }
0x4f: {  	v2 =	vadd.f32 @!p0 v4, v2  }
0x50: {  	v4 =	vld @!p0 [tilespmem:$0xF0E0]  }
0x51: {  	v2 =	vadd.f32 @!p0 v5, v2  }
0x52: {  	v5 =	vld @!p0 [tilespmem:$0xF0F0]  }
0x53: {  	v2 =	vadd.f32 @!p0 v3, v2;
	_ =	sdelay $0x1  }
0x54: {  	v2 =	vadd.f32 @!p0 v4, v2;
	_ =	sdelay $0x1  }
0x55: {  	v2 =	vadd.f32 @!p0 v5, v2  }
0x56: {  	[tilespmem:$0x11B80] =	vst @!p0 v1  }
0x57: {  	s3 =	simm.s32 @!p0 $0x11B80;
	s1 =	simm.s32 @!p0 $0x0;
	s13 =	rddreg [dreg:$0x10];
	[tilespmem:$0x11B90] =	vst @!p0 v2  }
0x58: {  	[hbm4b:s13+s1] =	stream.linear.scatter @!p0 [tilespmem:s3], [sflag:$0x3], $0x20, $0x38;
	[tilespmem:$0x14920] =	vst v63  }
0x59: {  	_ =	swait.ge @!p0 [sflag:s0], $0x20  }
0x5a: {  	s17 =	sadd.s32 $0x1, s17;
	s31 =	rddreg [dreg:$0x15]  }
0x5b: {  	p2 =	sne.s32 s17, s31  }
.Ltmp1:
0x5c: {  	_ = 	snop;
	(pc) =	sbr.rel @!p2 .LBB2_13-.Ltmp1, $3  }
0x5d: {  	_ =	sdelay $0x1  }
0x5e: {  	[sflag:s0] =	ssyncset.done @!p0 $0x0  }
0x5f: {  	[sflag:s0] =	ssyncadd.s32 @!p0 $0xFFFFFFE0  }
.LBB2_1:
0x60: {  	s0 =	rddreg [dreg:$0xa]  }
0x61: {  	s30 =	rddreg [dreg:$0xb]  }
0x62: {  	s1 =	simm.s32 $0x5000;
	s31 =	rddreg [dreg:$0x16]  }
0x63: {  	[tilespmem:s1], [sflag:$0x1] =	stream.linear.gather [hbm4b:s0+s5], $0x5000, $0x38;
	[tilespmem:$0x14920] =	vst v63  }
0x64: {  	[spmem:s31], [sflag:s8] =	dma.local [hbm:s30], $0x50  }
0x65: {  	s0 =	rddreg [dreg:$0xc]  }
0x66: {  	s19 =	simm.s32 $0xC7C0;
	s1 =	rddreg [dreg:$0x17]  }
0x67: {  	[spmem:s1], [sflag:s8] =	dma.local [hbm:s0], $0x50  }
0x68: {  	_ =	strace $0x80000048;
	[tilespmem:s19+$0xFFFFFFC0] =	vst v0  }
0x69: {  	[tilespmem:s19+$0x30] =	vst v0  }
0x6a: {  	[tilespmem:s19+$0x20] =	vst v0  }
0x6b: {  	[tilespmem:s19+$0x10] =	vst v0  }
0x6c: {  	[tilespmem:s19+$0x0] =	vst v0  }
0x6d: {  	[tilespmem:s19+$0xFFFFFFF0] =	vst v0  }
0x6e: {  	s21 =	simm.s32 $0x0;
	[tilespmem:s19+$0xFFFFFFE0] =	vst v0  }
.LBB2_2:
0x6f: {  	s21 =	sadd.s32 $0x80, s21;
	[tilespmem:s19+$0xFFFFFFD0] =	vst v0;
	s19 =	sadd.s32 $0x80, s19  }
0x70: {  	[tilespmem:s19+$0xFFFFFFC0] =	vst v0;
	p2 =	slt.u32 s21, $0x2780  }
0x71: {  	[tilespmem:s19+$0x30] =	vst v0  }
.Ltmp2:
0x72: {  	[tilespmem:s19+$0x20] =	vst v0;
	(pc) =	sbr.rel @p2 .LBB2_2-.Ltmp2, $4  }
0x73: {  	[tilespmem:s19+$0x10] =	vst v0  }
0x74: {  	[tilespmem:s19+$0x0] =	vst v0  }
0x75: {  	[tilespmem:s19+$0xFFFFFFF0] =	vst v0  }
0x76: {  	[tilespmem:s19+$0xFFFFFFE0] =	vst v0  }
0x77: {  	[tilespmem:s19+$0xFFFFFFD0] =	vst v0  }
0x78: {  	_ =	strace $0x90000048  }
0x79: {  	_ =	strace $0x80000049  }
0x7a: {  	_ =	swait.ge [sflag:s9], $0x50  }
0x7b: {  	[sflag:s9] =	ssyncset.done $0x0  }
0x7c: {  	[sflag:s9] =	ssyncadd.s32 $0xFFFFFFB0  }
0x7d: {  	_ =	swait.ge [sflag:s9], $0x50  }
0x7e: {  	[sflag:s9] =	ssyncset.done $0x0  }
0x7f: {  	[sflag:s9] =	ssyncadd.s32 $0xFFFFFFB0  }
0x80: {  	[bflag:$0x0] =	sbarrier.arrive $0xFFFF  }
0x81: {  	_ =	strace $0x90000049  }
0x82: {  	_ =	strace $0x8000004A  }
0x83: {  	s0 =	rddreg [dreg:$0x4]  }
0x84: {  	[tilespmem:s5], [sflag:$0x2] =	stream.linear.gather [spmem:s0], $0x2800, $0x200038;
	[tilespmem:$0x14920] =	vst v63  }
0x85: {  	s26 =	rddreg [dreg:$0x5]  }
0x86: {  	[tilespmem:s11], [sflag:$0x2] =	stream.linear.gather [spmem:s26], $0x2800, $0x200038;
	[tilespmem:$0x14920] =	vst v63  }
0x87: {  	_ =	swait.ge [sflag:s9], $0x2800  }
0x88: {  	[sflag:s9] =	ssyncset.done $0x0  }
0x89: {  	[sflag:s9] =	ssyncadd.s32 $0xFFFFD800  }
0x8a: {  	_ =	swait.ge [sflag:s9], $0x2800  }
0x8b: {  	[sflag:s9] =	ssyncset.done $0x0  }
0x8c: {  	[sflag:s9] =	ssyncadd.s32 $0xFFFFD800  }
0x8d: {  	s24 =	sadd.s32 $0xFFFFFFC0, s18;
	_ =	swait.ge [sflag:s12], $0x5000  }
0x8e: {  	s25 =	sadd.s32 s20, s23;
	s29 =	sadd.s32 $0x40, s24;
	[sflag:s12] =	ssyncset.done $0x0  }
0x8f: {  	s22 =	sadd.s32 $0x70, s24;
	s21 =	sand.u32 $0xFFFFFF00, s25;
	[sflag:s12] =	ssyncadd.s32 $0xFFFFB000  }
0x90: {  	s30 =	sadd.s32 $0x60, s25;
	s19 =	sand.u32 $0x70, s29;
	_ =	strace $0x9000004A  }
0x91: {  	s31 =	sadd.s32 $0x40, s25;
	s28 =	sor.u32 s19, s21;
	_ =	strace $0x8000004B  }
0x92: {  	s13 =	sand.u32 $0x70, s22;
	s19 =	sand.u32 $0xFFFFFF00, s30;
	s26 =	sadd.s32 $0x60, s24;
	v1 =	vld [tilespmem:s28+$0x5000]  }
0x93: {  	s22 =	sand.u32 $0xFFFFFF00, s31;
	s13 =	sor.u32 s13, s19;
	s26 =	sand.u32 $0x70, s26;
	v2 =	vld [tilespmem:s28+$0x5080]  }
0x94: {  	s25 =	sadd.s32 $0x20, s25;
	s24 =	sadd.s32 $0x50, s24;
	s26 =	sor.u32 s26, s22;
	v3 =	vld [tilespmem:s13+$0x5000]  }
0x95: {  	s28 =	sand.u32 $0x70, s24;
	s24 =	sand.u32 $0xFFFFFF00, s25;
	v4 =	vld [tilespmem:s26+$0x5000]  }
0x96: {  	v8 =	vld [tilespmem:s13+$0x5080];
	s25 =	sor.u32 s28, s24  }
0x97: {  	v6 =	vld [tilespmem:s25+$0x5000]  }
0x98: {  	s13 =	sadd.s32 $0x0, s18;
	v7 =	vld [tilespmem:s25+$0x5080];
	s25 =	sadd.s32 $0x80, s20  }
0x99: {  	v5 =	vld [tilespmem:s26+$0x5080];
	s0 =	sadd.s32 $0x40, s13;
	s28 =	sadd.s32 s25, s23  }
0x9a: {  	s26 =	sand.u32 $0x70, s0;
	s30 =	sand.u32 $0xFFFFFF00, s28  }
0x9b: {  	s26 =	sor.u32 s26, s30  }
0x9c: {  	v10 =	vld [tilespmem:s26+$0x5000]  }
0x9d: {  	v1 =	vld.idx.msk [tilespmem:v1+s5+$0x0], $0xffff  }
0x9e: {  	v2 =	vld.idx.msk [tilespmem:v2+s11+$0x0], $0xffff  }
0x9f: {  	v9 =	vld.idx.msk [tilespmem:v3+s5+$0x0], $0xffff  }
0xa0: {  	v4 =	vld.idx.msk [tilespmem:v4+s5+$0x0], $0xffff  }
0xa1: {  	v5 =	vld.idx.msk [tilespmem:v5+s11+$0x0], $0xffff  }
0xa2: {  	v6 =	vld.idx.msk [tilespmem:v6+s5+$0x0], $0xffff  }
0xa3: {  	s29 =	sadd.s32 $0x70, s13;
	s31 =	sadd.s32 $0x60, s13;
	s1 =	sadd.s32 $0x60, s28;
	v7 =	vld.idx.msk [tilespmem:v7+s11+$0x0], $0xffff  }
0xa4: {  	s29 =	sand.u32 $0x70, s29;
	s3 =	sadd.s32 $0x40, s28;
	s30 =	sand.u32 $0xFFFFFF00, s1;
	v8 =	vld.idx.msk [tilespmem:v8+s11+$0x0], $0xffff  }
0xa5: {  	s31 =	sand.u32 $0x70, s31;
	s3 =	sand.u32 $0xFFFFFF00, s3;
	v11 =	vld [tilespmem:s26+$0x5080];
	s29 =	sor.u32 s29, s30  }
0xa6: {  	s13 =	sadd.s32 $0x50, s13;
	s30 =	sadd.s32 $0x20, s28;
	s3 =	sor.u32 s31, s3;
	v12 =	vld [tilespmem:s29+$0x5000]  }
0xa7: {  	s13 =	sand.u32 $0x70, s13;
	s26 =	sand.u32 $0xFFFFFF00, s30;
	v3 =	vld [tilespmem:s3+$0x5000];
	v1 =	vmul.f32 v2, v1  }
0xa8: {  	s13 =	sor.u32 s13, s26;
	v2 =	vld [tilespmem:s3+$0x5080];
	v13 =	vmul.f32 v5, v4;
	v6 =	vmul.f32 v7, v6  }
0xa9: {  	v14 =	vimm.f32 $-Inf;
	v4 =	vld [tilespmem:s13+$0x5000];
	v16 =	vmul.f32 v8, v9;
	v15 =	vmul.f32 $2.000000030e-01, v1  }
0xaa: {  	v5 =	vld [tilespmem:s13+$0x5080];
	vm0 =	vge.f32 v1, $0.0e+00;
	vm1 =	vge.f32 v13, $0.0e+00;
	v8 =	vmul.f32 $2.000000030e-01, v6  }
0xab: {  	s26 =	simm.s32 $0xA020;
	v7 =	vld [tilespmem:s29+$0x5080];
	v63 =	vmul.f32 $2.000000030e-01, v13;
	v9 =	vsel vm0, v1, v15;
	vm14 =	vge.f32 v6, $0.0e+00  }
0xac: {  	v1 =	vld.idx.msk [tilespmem:v10+s5+$0x0], $0xffff;
	v10 =	vmul.f32 $2.000000030e-01, v16;
	[tilespmem:s26+$0xFFFFFFE0] =	vst v9;
	v9 =	vmax.f32 v14, v9;
	v6 =	vsel vm14, v6, v8  }
0xad: {  	vm15 =	vge.f32 v16, $0.0e+00;
	v8 =	vld.idx.msk [tilespmem:v11+s11+$0x0], $0xffff;
	v11 =	vsel vm1, v13, v63;
	[tilespmem:s26+$0xFFFFFFF0] =	vst v6;
	v9 =	vmax.f32 v9, v6  }
0xae: {  	s28 =	simm.s32 $0x40;
	v10 =	vsel vm15, v16, v10;
	v6 =	vld.idx.msk [tilespmem:v12+s5+$0x0], $0xffff;
	[tilespmem:s26+$0x0] =	vst v11;
	v9 =	vmax.f32 v9, v11  }
.LBB2_4:
0xaf: {  	s3 =	sadd.s32 s28, s18;
	v11 =	vld.idx.msk [tilespmem:v3+s5+$0x0], $0xffff;
	[tilespmem:s26+$0x10] =	vst v10;
	v9 =	vmax.f32 v9, v10  }
0xb0: {  	s25 =	sadd.s32 $0x80, s25;
	s13 =	sadd.s32 $0x70, s3;
	v10 =	vld.idx.msk [tilespmem:v2+s11+$0x0], $0xffff  }
0xb1: {  	s29 =	sadd.s32 $0x40, s3;
	s30 =	sadd.s32 s25, s23;
	s31 =	sadd.s32 $0x60, s3;
	v4 =	vld.idx.msk [tilespmem:v4+s5+$0x0], $0xffff  }
0xb2: {  	s3 =	sadd.s32 $0x50, s3;
	s29 =	sand.u32 $0x70, s29;
	s0 =	sand.u32 $0xFFFFFF00, s30;
	v5 =	vld.idx.msk [tilespmem:v5+s11+$0x0], $0xffff  }
0xb3: {  	s13 =	sand.u32 $0x70, s13;
	s0 =	sor.u32 s29, s0;
	s29 =	sadd.s32 $0x60, s30;
	v7 =	vld.idx.msk [tilespmem:v7+s11+$0x0], $0xffff  }
0xb4: {  	s31 =	sand.u32 $0x70, s31;
	s1 =	sadd.s32 $0x40, s30;
	s29 =	sand.u32 $0xFFFFFF00, s29;
	v12 =	vld [tilespmem:s0+$0x5000]  }
0xb5: {  	s28 =	sadd.s32 $0x40, s28;
	v13 =	vld [tilespmem:s0+$0x5080];
	s0 =	sand.u32 $0xFFFFFF00, s1;
	s1 =	sor.u32 s13, s29  }
0xb6: {  	p2 =	slt.u32 s28, $0x26C0;
	s13 =	sadd.s32 $0x20, s30;
	s0 =	sor.u32 s31, s0;
	v14 =	vld [tilespmem:s1+$0x5000]  }
0xb7: {  	s3 =	sand.u32 $0x70, s3;
	v1 =	vmul.f32 v8, v1;
	s13 =	sand.u32 $0xFFFFFF00, s13;
	v3 =	vld [tilespmem:s0+$0x5000]  }
0xb8: {  	v10 =	vmul.f32 v10, v11;
	s3 =	sor.u32 s3, s13;
	v8 =	vmul.f32 v5, v4;
	v2 =	vld [tilespmem:s0+$0x5080]  }
0xb9: {  	v11 =	vmul.f32 $2.000000030e-01, v1;
	v15 =	vmul.f32 v7, v6;
	v4 =	vld [tilespmem:s3+$0x5000]  }
.Ltmp3:
0xba: {  	vm0 =	vge.f32 v1, $0.0e+00;
	vm1 =	vge.f32 v10, $0.0e+00;
	v6 =	vmul.f32 $2.000000030e-01, v8;
	v5 =	vld [tilespmem:s3+$0x5080];
	(pc) =	sbr.rel @p2 .LBB2_4-.Ltmp3, $4  }
0xbb: {  	s26 =	sadd.s32 $0x40, s26;
	v11 =	vsel vm0, v1, v11;
	v16 =	vmul.f32 $2.000000030e-01, v10;
	vm0 =	vge.f32 v8, $0.0e+00;
	v7 =	vld [tilespmem:s1+$0x5080]  }
0xbc: {  	v9 =	vmax.f32 v9, v11;
	v6 =	vsel vm0, v8, v6;
	v1 =	vld.idx.msk [tilespmem:v12+s5+$0x0], $0xffff;
	[tilespmem:s26+$0xFFFFFFE0] =	vst v11;
	v11 =	vmul.f32 $2.000000030e-01, v15  }
0xbd: {  	v10 =	vsel vm1, v10, v16;
	vm0 =	vge.f32 v15, $0.0e+00;
	v9 =	vmax.f32 v9, v6;
	v8 =	vld.idx.msk [tilespmem:v13+s11+$0x0], $0xffff;
	[tilespmem:s26+$0xFFFFFFF0] =	vst v6  }
0xbe: {  	v9 =	vmax.f32 v9, v10;
	v6 =	vld.idx.msk [tilespmem:v14+s5+$0x0], $0xffff;
	[tilespmem:s26+$0x0] =	vst v10;
	v10 =	vsel vm0, v15, v11  }
0xbf: {  	_ =	sdelay $0x3  }
0xc0: {  	v3 =	vld.idx.msk [tilespmem:v3+s5+$0x0], $0xffff  }
0xc1: {  	v4 =	vld.idx.msk [tilespmem:v4+s5+$0x0], $0xffff  }
0xc2: {  	v5 =	vld.idx.msk [tilespmem:v5+s11+$0x0], $0xffff  }
0xc3: {  	v2 =	vld.idx.msk [tilespmem:v2+s11+$0x0], $0xffff  }
0xc4: {  	v7 =	vld.idx.msk [tilespmem:v7+s11+$0x0], $0xffff;
	_ =	sdelay $0x1  }
0xc5: {  	v1 =	vmul.f32 v8, v1  }
0xc6: {  	v4 =	vmul.f32 v5, v4  }
0xc7: {  	v2 =	vmul.f32 v2, v3;
	v3 =	vmul.f32 $2.000000030e-01, v1  }
0xc8: {  	vm0 =	vge.f32 v1, $0.0e+00;
	v5 =	vmul.f32 v7, v6;
	v6 =	vmul.f32 $2.000000030e-01, v4  }
0xc9: {  	[tilespmem:s26+$0x10] =	vst v10;
	s0 =	sadd.s32 $0x40, s26;
	v1 =	vsel vm0, v1, v3;
	vm13 =	vge.f32 v4, $0.0e+00;
	v3 =	vmul.f32 $2.000000030e-01, v2  }
0xca: {  	vm1 =	vge.f32 v2, $0.0e+00;
	[tilespmem:s0+$0xFFFFFFE0] =	vst v1;
	v4 =	vsel vm13, v4, v6;
	v6 =	vmul.f32 $2.000000030e-01, v5  }
0xcb: {  	vm14 =	vge.f32 v5, $0.0e+00;
	v2 =	vsel vm1, v2, v3;
	[tilespmem:s0+$0xFFFFFFF0] =	vst v4  }
0xcc: {  	[tilespmem:s0+$0x0] =	vst v2;
	v3 =	vsel vm14, v5, v6  }
0xcd: {  	[tilespmem:s0+$0x10] =	vst v3  }
0xce: {  	v5 =	vld [tilespmem:s10+$0x9E00]  }
0xcf: {  	v6 =	vld [tilespmem:s10+$0x9E80];
	_ =	sdelay $0x6  }
0xd0: {  	v5 =	vld.idx.msk [tilespmem:v5+s5+$0x0], $0xffff  }
0xd1: {  	v6 =	vld.idx.msk [tilespmem:v6+s11+$0x0], $0xffff;
	_ =	sdelay $0x4  }
0xd2: {  	v5 =	vmul.f32 v6, v5;
	v6 =	vmax.f32 v9, v10  }
0xd3: {  	v1 =	vmax.f32 v6, v1  }
0xd4: {  	v6 =	vmul.f32 $2.000000030e-01, v5;
	v1 =	vmax.f32 v1, v4  }
0xd5: {  	vm15 =	vge.f32 v5, $0.0e+00;
	v1 =	vmax.f32 v1, v2  }
0xd6: {  	v2 =	vsel vm15, v5, v6;
	v1 =	vmax.f32 v1, v3  }
0xd7: {  	[tilespmem:$0xC700] =	vst v2;
	v1 =	vmax.f32 v1, v2  }
0xd8: {  	_ =	strace $0x9000004B;
	[tilespmem:$0xEF80] =	vst v1  }
0xd9: {  	_ =	strace $0x8000004C  }
0xda: {  	s26 =	simm.s32 $0xEF80;
	s13 =	rddreg [dreg:$0xd]  }
0xdb: {  	[spmem:s13] =	stream.linear.scatter [tilespmem:s26], [sflag:$0x3], $0x10, $0x200038;
	[tilespmem:$0x14920] =	vst v63  }
0xdc: {  	_ =	swait.ge [sflag:s15], $0x10  }
0xdd: {  	[sflag:s15] =	ssyncset.done $0x0  }
0xde: {  	[sflag:s15] =	ssyncadd.s32 $0xFFFFFFF0  }
0xdf: {  	[bflag:$0x0] =	sbarrier.arrive $0xFFFF  }
0xe0: {  	s1 =	simm.s32 $0xF000;
	s25 =	rddreg [dreg:$0x6]  }
0xe1: {  	[tilespmem:s1], [sflag:$0x3] =	stream.linear.gather [spmem:s25], $0x100, $0x200038;
	[tilespmem:$0x14920] =	vst v63  }
0xe2: {  	_ =	swait.ge [sflag:s15], $0x100  }
0xe3: {  	[sflag:s15] =	ssyncset.done $0x0  }
0xe4: {  	[sflag:s15] =	ssyncadd.s32 $0xFFFFFF00  }
0xe5: {  	_ =	strace $0x9000004C  }
0xe6: {  	v1 =	vld [tilespmem:$0xF000]  }
0xe7: {  	v2 =	vld [tilespmem:$0xF010]  }
0xe8: {  	v3 =	vld [tilespmem:$0xF020]  }
0xe9: {  	v4 =	vld [tilespmem:$0xF030]  }
0xea: {  	v5 =	vld [tilespmem:$0xF040]  }
0xeb: {  	v6 =	vld [tilespmem:$0xF050]  }
0xec: {  	v1 =	vmax.f32 v1, v2;
	v2 =	vld [tilespmem:$0xF060]  }
0xed: {  	v1 =	vmax.f32 v1, v3;
	v3 =	vld [tilespmem:$0xF070]  }
0xee: {  	v1 =	vmax.f32 v1, v4;
	v4 =	vld [tilespmem:$0xF080]  }
0xef: {  	v1 =	vmax.f32 v1, v5;
	v5 =	vld [tilespmem:$0xF090]  }
0xf0: {  	v1 =	vmax.f32 v1, v6;
	v6 =	vld [tilespmem:$0xF0A0]  }
0xf1: {  	v1 =	vmax.f32 v1, v2;
	v2 =	vld [tilespmem:$0xF0B0]  }
0xf2: {  	v1 =	vmax.f32 v1, v3;
	v3 =	vld [tilespmem:$0xF0C0]  }
0xf3: {  	v1 =	vmax.f32 v1, v4;
	v4 =	vld [tilespmem:$0xF0D0]  }
0xf4: {  	v1 =	vmax.f32 v1, v5;
	v5 =	vld [tilespmem:$0xF0E0]  }
0xf5: {  	v1 =	vmax.f32 v1, v6;
	v6 =	vld [tilespmem:$0xF0F0]  }
0xf6: {  	v1 =	vmax.f32 v1, v2  }
0xf7: {  	v1 =	vmax.f32 v1, v3  }
0xf8: {  	v1 =	vmax.f32 v1, v4  }
0xf9: {  	v1 =	vmax.f32 v1, v5  }
0xfa: {  	v1 =	vmax.f32 v1, v6  }
0xfb: {  	(xrf0) =	vmax.scan.msk.f32 $0xffff, v1;
	_ =	sdelay $0x5  }
0xfc: {  	v1, _, _ =	vpop (xrf0)  }
0xfd: {  	s28 =	simm.s32 $0xA020;
	_ =	strace $0x8000004D  }
0xfe: {  	v2 =	vld [tilespmem:s28+$0xFFFFFFE0];
	_ =	sdelay $0x2  }
0xff: {  	v1 =	vbroadcast v1, $0xF;
	_ =	sdelay $0x1  }
0x100: {  	v3 =	vld [tilespmem:s28+$0xFFFFFFF0];
	v2 =	vsub.f32 v2, v1;
	_ =	sdelay $0x1  }
0x101: {  	v4 =	vld [tilespmem:s28+$0x0];
	v2 =	vmul.f32 $1.442695020e+00, v2;
	_ =	sdelay $0x1  }
0x102: {  	s29 =	sadd.s32 $0xFFFFFFC0, s18;
	(erf) = vpow2.f32 v2;
	v2 =	vld [tilespmem:s28+$0x10]  }
0x103: {  	s3 =	sadd.s32 $0x40, s29;
	v3 =	vsub.f32 v3, v1  }
0x104: {  	s3 =	sand.u32 $0x70, s3;
	s13 =	sadd.s32 $0x50, s29  }
0x105: {  	s3 =	sor.u32 s3, s21;
	s30 =	sand.u32 $0x70, s13;
	v4 =	vsub.f32 v4, v1;
	v3 =	vmul.f32 $1.442695020e+00, v3  }
0x106: {  	s31 =	sadd.s32 $0x60, s29;
	s0 =	sor.u32 s30, s24;
	v5 =	vld [tilespmem:s3+$0x5000]  }
0x107: {  	s21 =	sand.u32 $0x70, s31;
	s25 =	simm.s32 $0xA060;
	v6 =	vld [tilespmem:s0+$0x5000];
	v4 =	vmul.f32 $1.442695020e+00, v4;
	(erf) = vpow2.f32 v3;
	v8 =	vsub.f32 v2, v1  }
0x108: {  	s24 =	sor.u32 s21, s22;
	v3 =	vld [tilespmem:s25+$0xFFFFFFE0]  }
0x109: {  	s1 =	sadd.s32 $0x70, s29;
	v9 =	vld [tilespmem:s24+$0x5000];
	(erf) = vpow2.f32 v4;
	v8 =	vmul.f32 $1.442695020e+00, v8  }
0x10a: {  	s22 =	sadd.s32 $0x0, s18;
	s21 =	sadd.s32 $0x80, s20;
	s1 =	sand.u32 $0x70, s1;
	v4 =	vld [tilespmem:s25+$0xFFFFFFF0]  }
0x10b: {  	s1 =	sor.u32 s1, s19;
	s19 =	sadd.s32 s21, s23;
	v7 =	vld [tilespmem:s25+$0x0];
	s28 =	sadd.s32 $0x40, s22;
	v11 =	vpop (erf);
	(erf) = vpow2.f32 v8  }
0x10c: {  	s29 =	sand.u32 $0xFFFFFF00, s19;
	v10 =	vld [tilespmem:s25+$0x10];
	s3 =	sand.u32 $0x70, s28  }
0x10d: {  	s30 =	sadd.s32 $0x50, s22;
	s31 =	sadd.s32 $0x20, s19;
	s3 =	sor.u32 s3, s29;
	v2 =	vld [tilespmem:s1+$0x5000];
	v13 =	vsub.f32 v3, v1  }
0x10e: {  	v12 =	vimm.f32 $0.0e+00;
	s13 =	sand.u32 $0x70, s30;
	s24 =	sand.u32 $0xFFFFFF00, s31;
	v3 =	vld [tilespmem:s3+$0x5000]  }
0x10f: {  	s28 =	sadd.s32 $0x60, s22;
	s25 =	sor.u32 s13, s24;
	s29 =	sadd.s32 $0x40, s19;
	v8 =	vmul.f32 $1.442695020e+00, v13;
	[tilespmem:v5+s16+$0x0] =	vst.idx.add.f32.msk $0xffff, v11;
	v5 =	vsub.f32 v4, v1;
	v11 =	vadd.f32 v11, v12  }
0x110: {  	v63 =	vsub.f32 v7, v1;
	s30 =	sand.u32 $0x70, s28;
	s31 =	sand.u32 $0xFFFFFF00, s29;
	v4 =	vld [tilespmem:s25+$0x5000];
	v62 =	vpop (erf)  }
0x111: {  	s0 =	sor.u32 s30, s31;
	[tilespmem:v6+s16+$0x0] =	vst.idx.add.f32.msk $0xffff, v62;
	(erf) = vpow2.f32 v8;
	v14 =	vmul.f32 $1.442695020e+00, v5;
	v6 =	vadd.f32 v62, v11  }
0x112: {  	v7 =	vsub.f32 v10, v1;
	v10 =	vpop (erf);
	v5 =	vld [tilespmem:s0+$0x5000]  }
0x113: {  	s24 =	simm.s32 $0x40;
	s25 =	simm.s32 $0xA0A0;
	v8 =	vmul.f32 $1.442695020e+00, v63;
	[tilespmem:v9+s16+$0x0] =	vst.idx.add.f32.msk $0xffff, v10;
	(erf) = vpow2.f32 v14;
	v6 =	vadd.f32 v10, v6  }
.LBB2_6:
0x114: {  	v9 =	vld [tilespmem:s25+$0xFFFFFFE0];
	s21 =	sadd.s32 $0x80, s21;
	v10 =	vpop (erf);
	s0 =	smov.u32 s24;
	s24 =	sadd.s32 $0x40, s24  }
0x115: {  	s1 =	sadd.s32 $0x70, s22;
	s3 =	sadd.s32 $0x60, s19;
	v7 =	vmul.f32 $1.442695020e+00, v7;
	p2 =	slt.u32 s24, $0x26C0;
	(erf) = vpow2.f32 v8;
	[tilespmem:v2+s16+$0x0] =	vst.idx.add.f32.msk $0xffff, v10;
	v6 =	vadd.f32 v10, v6;
	v8 =	vmovc v4  }
0x116: {  	s22 =	sadd.s32 s0, s18;
	s0 =	sand.u32 $0x70, s1;
	s1 =	sand.u32 $0xFFFFFF00, s3;
	v4 =	vld [tilespmem:s25+$0xFFFFFFF0]  }
0x117: {  	s19 =	sadd.s32 s21, s23;
	s3 =	sadd.s32 $0x40, s22;
	s0 =	sor.u32 s0, s1;
	v10 =	vld [tilespmem:s25+$0x0];
	(erf) = vpow2.f32 v7;
	v11 =	vmov v5  }
0x118: {  	s1 =	sand.u32 $0x70, s3;
	s3 =	sand.u32 $0xFFFFFF00, s19;
	v2 =	vld [tilespmem:s0+$0x5000]  }
0x119: {  	s0 =	sor.u32 s1, s3;
	s1 =	sadd.s32 $0x50, s22;
	s3 =	sadd.s32 $0x20, s19;
	v5 =	vsub.f32 v9, v1;
	v7 =	vld [tilespmem:s25+$0x10]  }
0x11a: {  	v9 =	vld [tilespmem:s0+$0x5000];
	s0 =	sand.u32 $0x70, s1;
	s1 =	sand.u32 $0xFFFFFF00, s3;
	v12 =	vpop (erf);
	s3 =	sadd.s32 $0x40, s19  }
.Ltmp4:
0x11b: {  	v5 =	vmul.f32 $1.442695020e+00, v5;
	s0 =	sor.u32 s0, s1;
	v13 =	vsub.f32 v4, v1;
	s1 =	sadd.s32 $0x60, s22;
	[tilespmem:v3+s16+$0x0] =	vst.idx.add.f32.msk $0xffff, v12;
	v3 =	vadd.f32 v12, v6;
	(pc) =	sbr.rel @p2 .LBB2_6-.Ltmp4, $4  }
0x11c: {  	v4 =	vld [tilespmem:s0+$0x5000];
	s0 =	sand.u32 $0x70, s1;
	s1 =	sand.u32 $0xFFFFFF00, s3;
	v6 =	vsub.f32 v10, v1;
	v10 =	vpop (erf)  }
0x11d: {  	v12 =	vmul.f32 $1.442695020e+00, v13;
	s0 =	sor.u32 s0, s1;
	(erf) = vpow2.f32 v5;
	[tilespmem:v8+s16+$0x0] =	vst.idx.add.f32.msk $0xffff, v10;
	v13 =	vadd.f32 v10, v3  }
0x11e: {  	v5 =	vld [tilespmem:s0+$0x5000];
	v7 =	vsub.f32 v7, v1;
	v10 =	vpop (erf)  }
0x11f: {  	s25 =	sadd.s32 $0x40, s25;
	v8 =	vmul.f32 $1.442695020e+00, v6;
	(erf) = vpow2.f32 v12;
	[tilespmem:v11+s16+$0x0] =	vst.idx.add.f32.msk $0xffff, v10;
	v6 =	vadd.f32 v10, v13;
	v3 =	vmovc v9  }
0x120: {  	v7 =	vmul.f32 $1.442695020e+00, v7  }
0x121: {  	s0 =	sadd.s32 $0x70, s22;
	s1 =	sadd.s32 $0x60, s19;
	(erf) = vpow2.f32 v8  }
0x122: {  	s0 =	sand.u32 $0x70, s0;
	s1 =	sand.u32 $0xFFFFFF00, s1;
	(erf) = vpow2.f32 v7  }
0x123: {  	s0 =	sor.u32 s0, s1  }
0x124: {  	v7 =	vld [tilespmem:s0+$0x5000];
	_ =	sdelay $0x2  }
0x125: {  	v8 =	vpop (erf)  }
0x126: {  	[tilespmem:v2+s16+$0x0] =	vst.idx.add.f32.msk $0xffff, v8;
	v2 =	vpop (erf)  }
0x127: {  	[tilespmem:v3+s16+$0x0] =	vst.idx.add.f32.msk $0xffff, v2;
	v3 =	vpop (erf)  }
0x128: {  	[tilespmem:v4+s16+$0x0] =	vst.idx.add.f32.msk $0xffff, v3;
	v4 =	vpop (erf)  }
0x129: {  	[tilespmem:v5+s16+$0x0] =	vst.idx.add.f32.msk $0xffff, v4;
	v5 =	vpop (erf)  }
0x12a: {  	[tilespmem:v7+s16+$0x0] =	vst.idx.add.f32.msk $0xffff, v5  }
0x12b: {  	v7 =	vld [tilespmem:$0xC700];
	_ =	sdelay $0x4  }
0x12c: {  	v7 =	vsub.f32 v7, v1;
	_ =	sdelay $0x1  }
0x12d: {  	v7 =	vmul.f32 $1.442695020e+00, v7;
	_ =	sdelay $0x1  }
0x12e: {  	v6 =	vadd.f32 v8, v6;
	(erf) = vpow2.f32 v7;
	_ =	sdelay $0x1  }
0x12f: {  	v2 =	vadd.f32 v2, v6  }
0x130: {  	v6 =	vld [tilespmem:s10+$0x9E00]  }
0x131: {  	v2 =	vadd.f32 v3, v2;
	_ =	sdelay $0x1  }
0x132: {  	v2 =	vadd.f32 v4, v2;
	_ =	sdelay $0x1  }
0x133: {  	v2 =	vadd.f32 v5, v2  }
0x134: {  	v3 =	vpop (erf)  }
0x135: {  	v2 =	vadd.f32 v3, v2  }
0x136: {  	[tilespmem:v6+s16+$0x0] =	vst.idx.add.f32.msk $0xffff, v3  }
0x137: {  	_ =	strace $0x9000004D;
	[tilespmem:$0xEF80] =	vst v2  }
0x138: {  	_ =	strace $0x8000004E  }
0x139: {  	s24 =	rddreg [dreg:$0xe]  }
0x13a: {  	[spmem:s24] =	stream.linear.scatter [tilespmem:s26], [sflag:$0x3], $0x10, $0x200038;
	[tilespmem:$0x14920] =	vst v63  }
0x13b: {  	_ =	swait.ge [sflag:s15], $0x10  }
0x13c: {  	[sflag:s15] =	ssyncset.done $0x0  }
0x13d: {  	s25 =	rddreg [dreg:$0xf];
	[sflag:s15] =	ssyncadd.s32 $0xFFFFFFF0  }
0x13e: {  	[spmem:s25] =	stream.linear.scatter [tilespmem:s16], [sflag:$0x3], $0x2800, $0x200038;
	[tilespmem:$0x14920] =	vst v63  }
0x13f: {  	_ =	swait.ge [sflag:s15], $0x2800  }
0x140: {  	[sflag:s15] =	ssyncset.done $0x0  }
0x141: {  	[sflag:s15] =	ssyncadd.s32 $0xFFFFD800  }
0x142: {  	[bflag:$0x0] =	sbarrier.arrive $0xFFFF  }
0x143: {  	_ =	strace $0x9000004E  }
0x144: {  	s26 =	simm.s32 $0xF100;
	_ =	strace $0x8000004F  }
0x145: {  	[tilespmem:s26], [sflag:$0x1] =	stream.linear.gather [spmem:s14], $0x280, $0x200038;
	[tilespmem:$0x14920] =	vst v63  }
0x146: {  	s29 =	simm.s32 $0xF380;
	s28 =	rddreg [dreg:$0x11]  }
0x147: {  	[tilespmem:s29], [sflag:$0x1] =	stream.linear.gather [spmem:s28], $0x280, $0x200038;
	[tilespmem:$0x14920] =	vst v63  }
0x148: {  	s31 =	simm.s32 $0xF600;
	s30 =	rddreg [dreg:$0x13]  }
0x149: {  	[tilespmem:s31], [sflag:$0x1] =	stream.linear.gather [spmem:s30], $0x280, $0x200038;
	[tilespmem:$0x14920] =	vst v63  }
0x14a: {  	s13 =	simm.s32 $0xF880;
	s3 =	rddreg [dreg:$0x14]  }
0x14b: {  	[tilespmem:s13], [sflag:$0x1] =	stream.linear.gather [spmem:s3], $0x280, $0x200038;
	[tilespmem:$0x14920] =	vst v63  }
0x14c: {  	s21 =	simm.s32 $0xFB00;
	s19 =	rddreg [dreg:$0x18]  }
0x14d: {  	[tilespmem:s21], [sflag:$0x1] =	stream.linear.gather [spmem:s19], $0x280, $0x200038;
	[tilespmem:$0x14920] =	vst v63  }
0x14e: {  	s24 =	simm.s32 $0xFD80;
	s22 =	rddreg [dreg:$0x19]  }
0x14f: {  	[tilespmem:s24], [sflag:$0x1] =	stream.linear.gather [spmem:s22], $0x280, $0x200038;
	[tilespmem:$0x14920] =	vst v63  }
0x150: {  	s25 =	rddreg [dreg:$0x1a];
	s26 =	simm.s32 $0x10000  }
0x151: {  	[tilespmem:s26], [sflag:$0x1] =	stream.linear.gather [spmem:s25], $0x280, $0x200038;
	[tilespmem:$0x14920] =	vst v63  }
0x152: {  	s28 =	rddreg [dreg:$0x1b];
	s29 =	simm.s32 $0x10280  }
0x153: {  	[tilespmem:s29], [sflag:$0x1] =	stream.linear.gather [spmem:s28], $0x280, $0x200038;
	[tilespmem:$0x14920] =	vst v63  }
0x154: {  	s30 =	rddreg [dreg:$0x1c];
	s31 =	simm.s32 $0x10500  }
0x155: {  	[tilespmem:s31], [sflag:$0x1] =	stream.linear.gather [spmem:s30], $0x280, $0x200038;
	[tilespmem:$0x14920] =	vst v63  }
0x156: {  	s1 =	rddreg [dreg:$0x1d];
	s3 =	simm.s32 $0x10780  }
0x157: {  	[tilespmem:s3], [sflag:$0x1] =	stream.linear.gather [spmem:s1], $0x280, $0x200038;
	[tilespmem:$0x14920] =	vst v63  }
0x158: {  	s13 =	rddreg [dreg:$0x1e];
	s19 =	simm.s32 $0x10A00  }
0x159: {  	[tilespmem:s19], [sflag:$0x1] =	stream.linear.gather [spmem:s13], $0x280, $0x200038;
	[tilespmem:$0x14920] =	vst v63  }
0x15a: {  	s21 =	rddreg [dreg:$0x1f];
	s22 =	simm.s32 $0x10C80  }
0x15b: {  	[tilespmem:s22], [sflag:$0x1] =	stream.linear.gather [spmem:s21], $0x280, $0x200038;
	[tilespmem:$0x14920] =	vst v63  }
0x15c: {  	s24 =	simm.s32 $0x10F00  }
0x15d: {  	[tilespmem:s24], [sflag:$0x1] =	stream.linear.gather [spmem:s2], $0x280, $0x200038;
	[tilespmem:$0x14920] =	vst v63  }
0x15e: {  	s25 =	simm.s32 $0x11180  }
0x15f: {  	[tilespmem:s25], [sflag:$0x1] =	stream.linear.gather [spmem:s4], $0x280, $0x200038;
	[tilespmem:$0x14920] =	vst v63  }
0x160: {  	s26 =	simm.s32 $0x11400  }
0x161: {  	[tilespmem:s26], [sflag:$0x1] =	stream.linear.gather [spmem:s6], $0x280, $0x200038;
	[tilespmem:$0x14920] =	vst v63  }
0x162: {  	s28 =	simm.s32 $0x11680  }
0x163: {  	[tilespmem:s28], [sflag:$0x1] =	stream.linear.gather [spmem:s7], $0x280, $0x200038;
	[tilespmem:$0x14920] =	vst v63  }
0x164: {  	_ =	swait.ge [sflag:s12], $0x280  }
0x165: {  	[sflag:s12] =	ssyncset.done $0x0  }
0x166: {  	[sflag:s12] =	ssyncadd.s32 $0xFFFFFD80  }
0x167: {  	_ =	swait.ge [sflag:s12], $0x280  }
0x168: {  	[sflag:s12] =	ssyncset.done $0x0  }
0x169: {  	[sflag:s12] =	ssyncadd.s32 $0xFFFFFD80  }
0x16a: {  	_ =	swait.ge [sflag:s12], $0x280  }
0x16b: {  	[sflag:s12] =	ssyncset.done $0x0  }
0x16c: {  	[sflag:s12] =	ssyncadd.s32 $0xFFFFFD80  }
0x16d: {  	_ =	swait.ge [sflag:s12], $0x280  }
0x16e: {  	[sflag:s12] =	ssyncset.done $0x0  }
0x16f: {  	[sflag:s12] =	ssyncadd.s32 $0xFFFFFD80  }
0x170: {  	_ =	swait.ge [sflag:s12], $0x280  }
0x171: {  	[sflag:s12] =	ssyncset.done $0x0  }
0x172: {  	[sflag:s12] =	ssyncadd.s32 $0xFFFFFD80  }
0x173: {  	_ =	swait.ge [sflag:s12], $0x280  }
0x174: {  	[sflag:s12] =	ssyncset.done $0x0  }
0x175: {  	[sflag:s12] =	ssyncadd.s32 $0xFFFFFD80  }
0x176: {  	_ =	swait.ge [sflag:s12], $0x280  }
0x177: {  	[sflag:s12] =	ssyncset.done $0x0  }
0x178: {  	[sflag:s12] =	ssyncadd.s32 $0xFFFFFD80  }
0x179: {  	_ =	swait.ge [sflag:s12], $0x280  }
0x17a: {  	[sflag:s12] =	ssyncset.done $0x0  }
0x17b: {  	[sflag:s12] =	ssyncadd.s32 $0xFFFFFD80  }
0x17c: {  	_ =	swait.ge [sflag:s12], $0x280  }
0x17d: {  	[sflag:s12] =	ssyncset.done $0x0  }
0x17e: {  	[sflag:s12] =	ssyncadd.s32 $0xFFFFFD80  }
0x17f: {  	_ =	swait.ge [sflag:s12], $0x280  }
0x180: {  	[sflag:s12] =	ssyncset.done $0x0  }
0x181: {  	[sflag:s12] =	ssyncadd.s32 $0xFFFFFD80  }
0x182: {  	_ =	swait.ge [sflag:s12], $0x280  }
0x183: {  	[sflag:s12] =	ssyncset.done $0x0  }
0x184: {  	[sflag:s12] =	ssyncadd.s32 $0xFFFFFD80  }
0x185: {  	_ =	swait.ge [sflag:s12], $0x280  }
0x186: {  	[sflag:s12] =	ssyncset.done $0x0  }
0x187: {  	[sflag:s12] =	ssyncadd.s32 $0xFFFFFD80  }
0x188: {  	_ =	swait.ge [sflag:s12], $0x280  }
0x189: {  	[sflag:s12] =	ssyncset.done $0x0  }
0x18a: {  	[sflag:s12] =	ssyncadd.s32 $0xFFFFFD80  }
0x18b: {  	_ =	swait.ge [sflag:s12], $0x280  }
0x18c: {  	[sflag:s12] =	ssyncset.done $0x0  }
0x18d: {  	[sflag:s12] =	ssyncadd.s32 $0xFFFFFD80  }
0x18e: {  	_ =	swait.ge [sflag:s12], $0x280  }
0x18f: {  	[sflag:s12] =	ssyncset.done $0x0  }
0x190: {  	[sflag:s12] =	ssyncadd.s32 $0xFFFFFD80  }
0x191: {  	_ =	swait.ge [sflag:s12], $0x280  }
0x192: {  	[sflag:s12] =	ssyncset.done $0x0  }
0x193: {  	s29 =	simm.s32 $0x10510;
	s30 =	simm.s32 $0x0;
	[sflag:s12] =	ssyncadd.s32 $0xFFFFFD80  }
0x194: {  	s1 =	sand.u32 $0x3E0, s30;
	v2 =	vld [tilespmem:s29+$0xFFFFEBF0]  }
0x195: {  	v3 =	vld [tilespmem:s1+$0xF380]  }
0x196: {  	v4 =	vld [tilespmem:s29+$0xFFFFEC00]  }
0x197: {  	v5 =	vld [tilespmem:s1+$0xF600]  }
0x198: {  	v6 =	vld [tilespmem:s29+$0xFFFFEE80]  }
0x199: {  	v7 =	vld [tilespmem:s1+$0xF880]  }
0x19a: {  	v8 =	vld [tilespmem:s29+$0xFFFFF100]  }
0x19b: {  	v9 =	vld [tilespmem:s1+$0xFB00]  }
0x19c: {  	v10 =	vld [tilespmem:s29+$0xFFFFF380]  }
0x19d: {  	v11 =	vld [tilespmem:s1+$0xFD80]  }
0x19e: {  	v12 =	vld [tilespmem:s29+$0xFFFFF600]  }
0x19f: {  	v13 =	vld [tilespmem:s1+$0x10000]  }
0x1a0: {  	v14 =	vld [tilespmem:s29+$0xFFFFF880]  }
0x1a1: {  	v15 =	vld [tilespmem:s1+$0x10280]  }
0x1a2: {  	v16 =	vld [tilespmem:s29+$0xFFFFFB00]  }
0x1a3: {  	v17 =	vld [tilespmem:s1+$0x10500]  }
0x1a4: {  	v18 =	vld [tilespmem:s29+$0xFFFFFD80]  }
0x1a5: {  	v19 =	vld [tilespmem:s1+$0x10780]  }
0x1a6: {  	v20 =	vld [tilespmem:s29+$0x0]  }
0x1a7: {  	v21 =	vld [tilespmem:s1+$0x10A00]  }
0x1a8: {  	v22 =	vld [tilespmem:s29+$0x280]  }
0x1a9: {  	v23 =	vld [tilespmem:s1+$0x10C80]  }
0x1aa: {  	v24 =	vld [tilespmem:s29+$0x500]  }
0x1ab: {  	v25 =	vld [tilespmem:s1+$0x10F00]  }
0x1ac: {  	v26 =	vld [tilespmem:s29+$0x780]  }
0x1ad: {  	v27 =	vld [tilespmem:s1+$0x11180]  }
0x1ae: {  	v28 =	vld [tilespmem:s29+$0xA00]  }
0x1af: {  	v29 =	vld [tilespmem:s1+$0x11400]  }
0x1b0: {  	v30 =	vld [tilespmem:s29+$0xC80]  }
0x1b1: {  	v31 =	vld [tilespmem:s1+$0x11680]  }
0x1b2: {  	s19 =	simm.s32 $0x10530;
	s21 =	simm.s32 $0x20;
	v32 =	vld [tilespmem:s29+$0xF00];
	v2 =	vadd.f32 v3, v2  }
0x1b3: {  	s31 =	sand.u32 $0x3E0, s21;
	v3 =	vadd.f32 v6, v4;
	v6 =	vld [tilespmem:s19+$0xFFFFEBF0]  }
0x1b4: {  	v2 =	vadd.f32 v5, v2;
	v5 =	vld [tilespmem:s31+$0xF380]  }
0x1b5: {  	v3 =	vadd.f32 v8, v3;
	v8 =	vld [tilespmem:s19+$0xFFFFEC00]  }
0x1b6: {  	v2 =	vadd.f32 v7, v2;
	v7 =	vld [tilespmem:s31+$0xF600]  }
0x1b7: {  	v3 =	vadd.f32 v10, v3;
	v10 =	vld [tilespmem:s19+$0xFFFFEE80]  }
0x1b8: {  	v2 =	vadd.f32 v9, v2;
	v9 =	vld [tilespmem:s31+$0xF880]  }
0x1b9: {  	v3 =	vadd.f32 v12, v3;
	v5 =	vadd.f32 v5, v6;
	v6 =	vld [tilespmem:s19+$0xFFFFF100]  }
0x1ba: {  	v2 =	vadd.f32 v11, v2;
	v11 =	vld [tilespmem:s31+$0xFB00]  }
0x1bb: {  	v3 =	vadd.f32 v14, v3;
	v5 =	vadd.f32 v7, v5;
	v7 =	vld [tilespmem:s19+$0xFFFFF380]  }
0x1bc: {  	v60 =	vld [tilespmem:s31+$0xFD80];
	v8 =	vadd.f32 v10, v8;
	v2 =	vadd.f32 v13, v2  }
0x1bd: {  	v3 =	vadd.f32 v16, v3;
	v5 =	vadd.f32 v9, v5;
	v9 =	vld [tilespmem:s19+$0xFFFFF600]  }
0x1be: {  	v10 =	vld [tilespmem:s31+$0x10000];
	v6 =	vadd.f32 v6, v8  }
0x1bf: {  	v2 =	vadd.f32 v15, v2;
	v3 =	vadd.f32 v18, v3;
	v8 =	vld [tilespmem:s19+$0xFFFFF880]  }
0x1c0: {  	v5 =	vadd.f32 v11, v5;
	v11 =	vld [tilespmem:s31+$0x10280];
	v6 =	vadd.f32 v7, v6  }
0x1c1: {  	v2 =	vadd.f32 v17, v2;
	v3 =	vadd.f32 v20, v3;
	v7 =	vld [tilespmem:s19+$0xFFFFFB00]  }
0x1c2: {  	v61 =	vld [tilespmem:s31+$0x10500];
	v5 =	vadd.f32 v60, v5;
	v6 =	vadd.f32 v9, v6  }
0x1c3: {  	v2 =	vadd.f32 v19, v2;
	v3 =	vadd.f32 v22, v3;
	v9 =	vld [tilespmem:s19+$0xFFFFFD80]  }
0x1c4: {  	v5 =	vadd.f32 v10, v5;
	v10 =	vld [tilespmem:s31+$0x10780];
	v6 =	vadd.f32 v8, v6  }
0x1c5: {  	v2 =	vadd.f32 v21, v2;
	v3 =	vadd.f32 v24, v3;
	v8 =	vld [tilespmem:s19+$0x0]  }
0x1c6: {  	v5 =	vadd.f32 v11, v5;
	v11 =	vld [tilespmem:s31+$0x10A00];
	v6 =	vadd.f32 v7, v6  }
0x1c7: {  	v2 =	vadd.f32 v23, v2;
	v3 =	vadd.f32 v26, v3;
	v7 =	vld [tilespmem:s19+$0x280]  }
0x1c8: {  	v62 =	vld [tilespmem:s31+$0x10C80];
	v5 =	vadd.f32 v61, v5;
	v6 =	vadd.f32 v9, v6  }
0x1c9: {  	v2 =	vadd.f32 v25, v2;
	v3 =	vadd.f32 v28, v3;
	v9 =	vld [tilespmem:s19+$0x500]  }
0x1ca: {  	v4 =	vld [tilespmem:s29+$0x1180];
	v5 =	vadd.f32 v10, v5;
	v6 =	vadd.f32 v8, v6  }
0x1cb: {  	v10 =	vld [tilespmem:s31+$0x10F00];
	v2 =	vadd.f32 v27, v2;
	v3 =	vadd.f32 v30, v3  }
0x1cc: {  	v8 =	vld [tilespmem:s19+$0x780];
	v5 =	vadd.f32 v11, v5;
	v6 =	vadd.f32 v7, v6  }
0x1cd: {  	v63 =	vld [tilespmem:s31+$0x11180];
	v11 =	vadd.f32 v29, v2;
	v3 =	vadd.f32 v32, v3  }
0x1ce: {  	v5 =	vadd.f32 v62, v5;
	v9 =	vadd.f32 v9, v6;
	v6 =	vld [tilespmem:s19+$0xA00]  }
0x1cf: {  	v2 =	vld [tilespmem:s31+$0x11400];
	v7 =	vadd.f32 v31, v11  }
0x1d0: {  	s22 =	simm.s32 $0x11910;
	v11 =	vadd.f32 v4, v3;
	v4 =	vld [tilespmem:s19+$0xC80];
	v5 =	vadd.f32 v10, v5  }
0x1d1: {  	v3 =	vld [tilespmem:s31+$0x11680];
	[tilespmem:s22+$0xFFFFFFF0] =	vst v7;
	v8 =	vadd.f32 v8, v9  }
0x1d2: {  	[tilespmem:s22+$0x0] =	vst v11;
	v7 =	vadd.f32 v63, v5;
	v5 =	vld [tilespmem:s19+$0xF00]  }
.LBB2_8:
0x1d3: {  	s21 =	sadd.s32 $0x20, s21;
	v6 =	vadd.f32 v6, v8;
	v8 =	vld [tilespmem:s19+$0x1180];
	s19 =	sadd.s32 $0x20, s19  }
0x1d4: {  	v9 =	vld [tilespmem:s19+$0xFFFFEBF0];
	s24 =	sand.u32 $0x3E0, s21;
	p2 =	slt.u32 s21, $0x260;
	v2 =	vadd.f32 v2, v7  }
0x1d5: {  	v7 =	vld [tilespmem:s24+$0xF380];
	v4 =	vadd.f32 v4, v6  }
0x1d6: {  	v6 =	vld [tilespmem:s19+$0xFFFFEC00];
	v2 =	vadd.f32 v3, v2  }
0x1d7: {  	s22 =	sadd.s32 $0x20, s22;
	v3 =	vld [tilespmem:s24+$0xF600];
	v4 =	vadd.f32 v5, v4  }
0x1d8: {  	v5 =	vld [tilespmem:s19+$0xFFFFEE80];
	[tilespmem:s22+$0xFFFFFFF0] =	vst v2  }
0x1d9: {  	v2 =	vld [tilespmem:s24+$0xF880];
	v4 =	vadd.f32 v8, v4  }
0x1da: {  	v7 =	vadd.f32 v7, v9;
	v8 =	vld [tilespmem:s19+$0xFFFFF100]  }
0x1db: {  	v9 =	vld [tilespmem:s24+$0xFB00];
	[tilespmem:s22+$0x0] =	vst v4  }
0x1dc: {  	v3 =	vadd.f32 v3, v7;
	v4 =	vld [tilespmem:s19+$0xFFFFF380]  }
0x1dd: {  	v7 =	vld [tilespmem:s24+$0xFD80];
	v5 =	vadd.f32 v5, v6  }
0x1de: {  	v2 =	vadd.f32 v2, v3;
	v3 =	vld [tilespmem:s19+$0xFFFFF600]  }
0x1df: {  	v6 =	vld [tilespmem:s24+$0x10000];
	v5 =	vadd.f32 v8, v5  }
0x1e0: {  	v2 =	vadd.f32 v9, v2;
	v8 =	vld [tilespmem:s19+$0xFFFFF880]  }
0x1e1: {  	v9 =	vld [tilespmem:s24+$0x10280];
	v4 =	vadd.f32 v4, v5  }
0x1e2: {  	v2 =	vadd.f32 v7, v2;
	v5 =	vld [tilespmem:s19+$0xFFFFFB00]  }
0x1e3: {  	v7 =	vld [tilespmem:s24+$0x10500];
	v3 =	vadd.f32 v3, v4  }
0x1e4: {  	v2 =	vadd.f32 v6, v2;
	v4 =	vld [tilespmem:s19+$0xFFFFFD80]  }
0x1e5: {  	v6 =	vld [tilespmem:s24+$0x10780];
	v3 =	vadd.f32 v8, v3  }
0x1e6: {  	v2 =	vadd.f32 v9, v2;
	v8 =	vld [tilespmem:s19+$0x0]  }
0x1e7: {  	v9 =	vld [tilespmem:s24+$0x10A00];
	v3 =	vadd.f32 v5, v3  }
0x1e8: {  	v2 =	vadd.f32 v7, v2;
	v5 =	vld [tilespmem:s19+$0x280]  }
0x1e9: {  	v7 =	vld [tilespmem:s24+$0x10C80];
	v3 =	vadd.f32 v4, v3  }
0x1ea: {  	v2 =	vadd.f32 v6, v2;
	v4 =	vld [tilespmem:s19+$0x500]  }
0x1eb: {  	v10 =	vld [tilespmem:s24+$0x10F00];
	v3 =	vadd.f32 v8, v3  }
0x1ec: {  	v2 =	vadd.f32 v9, v2;
	v8 =	vld [tilespmem:s19+$0x780]  }
0x1ed: {  	v9 =	vld [tilespmem:s24+$0x11180];
	v3 =	vadd.f32 v5, v3  }
.Ltmp5:
0x1ee: {  	v5 =	vadd.f32 v7, v2;
	v6 =	vld [tilespmem:s19+$0xA00];
	(pc) =	sbr.rel @p2 .LBB2_8-.Ltmp5, $4  }
0x1ef: {  	v2 =	vld [tilespmem:s24+$0x11400];
	v7 =	vadd.f32 v4, v3  }
0x1f0: {  	v5 =	vadd.f32 v10, v5;
	v4 =	vld [tilespmem:s19+$0xC80]  }
0x1f1: {  	v3 =	vld [tilespmem:s24+$0x11680];
	v8 =	vadd.f32 v8, v7  }
0x1f2: {  	v7 =	vadd.f32 v9, v5;
	v5 =	vld [tilespmem:s19+$0xF00]  }
0x1f3: {  	v6 =	vadd.f32 v6, v8  }
0x1f4: {  	v63 =	vld [tilespmem:s19+$0x1180]  }
0x1f5: {  	v4 =	vadd.f32 v4, v6  }
0x1f6: {  	v2 =	vadd.f32 v2, v7  }
.Ltmp6:
0x1f7: {  	v4 =	vadd.f32 v5, v4;
	(pc) =	sbr.rel @p1 .LBB2_12-.Ltmp6, $4  }
0x1f8: {  	v2 =	vadd.f32 v3, v2  }
0x1f9: {  	s0 =	sadd.s32 $0x20, s22;
	v3 =	vadd.f32 v63, v4  }
0x1fa: {  	[tilespmem:s0+$0xFFFFFFF0] =	vst v2  }
0x1fb: {  	[tilespmem:s0+$0x0] =	vst v3  }
0x1fc: {  	s19 =	simm.s32 $0x11A90  }
0x1fd: {  	s21 =	simm.s32 $0x190;
	[tilespmem:s19+$0x0] =	vst v0  }
.LBB2_11:
0x1fe: {  	s21 =	sadd.s32 $0x10, s21  }
0x1ff: {  	p2 =	slt.u32 s21, $0x270  }
.Ltmp7:
0x200: {  	_ = 	snop;
	(pc) =	sbr.rel @p2 .LBB2_11-.Ltmp7, $3  }
0x201: {  	_ =	sdelay $0x1  }
0x202: {  	s19 =	sadd.s32 $0x10, s19  }
0x203: {  	[tilespmem:s19+$0x0] =	vst v0  }
.Ltmp8:
0x204: {  	_ = 	snop;
	(pc) =	sbr.rel .LBB2_12-.Ltmp8, $1  }
0x205: {  	_ =	sdelay $0x3  }
.LBB2_13:
0x206: {  	_ =	sfence.sel $0x180000  }
0x207: {  	[bflag:$0x0] =	sbarrier.arrive $0xFFFF  }
0x208: {  	_ =	strace $0x90000047  }
0x209: {  	[bflag:$0x2] =	sbarrier.arrive $0xFFFF  }
0x20a: {  	s0 =	rddreg [dreg:$0x9]  }
0x20b: {  	s0 =	sadd.s32 @!p0 $0x100000, s0  }
0x20c: {  	[sflag:s0] =	ssyncadd.tile.s32 @!p0 $0x1;
	_ =	shalt  }
.Lfunc_end2:
_tile_overlayer_lowered:
.L_overlay_start_2:
0x20d: {  	(tag) =	ssettag $0x2  }
0x20e: {  	s0 =	rddreg [dreg:$0x0];
	s2 =	stileid.u32  }
0x20f: {  	s1 =	rddreg [dreg:$0x1];
	p0 =	sne.s32 s2, $0x0  }
0x210: {  	s3 =	rddreg [dreg:$0x2];
	[bflag:$0x3] =	sbarrier.arrive $0xFFFF;
	s2 =	simm.s32 @!p0 $0x1C03  }
0x211: {  	[timem:s3], [sflag:s2] =	dma.local @!p0 [hbm:s0], s1  }
0x212: {  	s0 =	simm.s32 @!p0 $0x3  }
0x213: {  	_ =	swait.ge @!p0 [sflag:s0], s1  }
0x214: {  	s1 =	ssub.s32 @!p0 $0x0, s1;
	[sflag:s0] =	ssyncset.done @!p0 $0x0  }
0x215: {  	[sflag:s0] =	ssyncadd.s32 @!p0 s1  }
0x216: {  	[bflag:$0x3] =	sbarrier.arrive $0xFFFF  }
0x217: {  	_ =	shalt  }

</sc_bundles>
